<compile_context>
chip_gen: v7x
topology: tpu7x:2x2x1
jax: 0.10.2.dev20260603
libtpu: 0.0.44.dev20260713+nightly
codegen_flags: <defaults>
</compile_context>

<pallas_src>
import functools

import jax
import jax.numpy as jnp
from jax import lax
from jax.experimental import pallas as pl
from jax.experimental.pallas import tpu as pltpu
from jax.experimental.pallas import tpu_sc as plsc

_D = 1024
_NC = 2
_NS = 16
_NW = _NC * _NS
_CH = 40
_NBUF = 3


def _make_lookup(n_rows):
    bpw = n_rows // _NW
    nch = bpw // _CH
    nloop = (nch - 1) // _NBUF

    mesh = plsc.VectorSubcoreMesh(core_axis_name="c", subcore_axis_name="s")

    @functools.partial(
        pl.kernel,
        out_type=jax.ShapeDtypeStruct((n_rows, _D), jnp.float32),
        mesh=mesh,
        scratch_types=[
            pltpu.VMEM((bpw,), jnp.int32),
            pltpu.VMEM((_NBUF, _CH, _D), jnp.float32),
            [pltpu.SemaphoreType.DMA] * _NBUF,
            [pltpu.SemaphoreType.DMA] * _NBUF,
        ],
    )
    def lookup(ids_hbm, table_hbm, out_hbm, idx_v, bufs, gsems, wsems):
        wid = lax.axis_index("s") * _NC + lax.axis_index("c")
        base = wid * bpw
        pltpu.sync_copy(ids_hbm.at[pl.ds(base, bpw)], idx_v)

        def gather(t, k):
            return pltpu.make_async_copy(
                table_hbm.at[idx_v.at[pl.ds(t * _CH, _CH)]],
                bufs.at[k],
                gsems[k],
            )

        def write(t, k):
            return pltpu.make_async_copy(
                bufs.at[k],
                out_hbm.at[pl.ds(base + t * _CH, _CH)],
                wsems[k],
            )

        gather(0, 0).start()
        gather(1, 1).start()

        @pl.loop(0, nloop)
        def _turn(p):
            s0 = p * _NBUF
            for r in range(_NBUF):
                s = s0 + r
                nxt = s + 2
                k2 = (r + 2) % _NBUF
                prev = nxt - _NBUF

                @pl.when(jnp.logical_and(prev >= 0, nxt < nch))
                def _():
                    write(prev, k2).wait()

                @pl.when(nxt < nch)
                def _():
                    gather(nxt, k2).start()

                gather(s, r).wait()
                write(s, r).start()

        for s in range(nloop * _NBUF, nch):
            k = s % _NBUF
            gather(s, k).wait()
            write(s, k).start()

        for s in range(nch - _NBUF, nch):
            write(s, s % _NBUF).wait()

    return lookup


def kernel(input_ids, attention_mask, table):
    batch, seq = input_ids.shape
    ids_flat = input_ids.T.reshape(batch * seq)
    flat = _make_lookup(batch * seq)(ids_flat, table)
    emb = flat.reshape(seq, batch, _D).transpose(1, 0, 2)
    return emb, attention_mask

# --- scband reference (transcript-rebuilt; emitter-appended) ---
"""Pipeline reference for scband-task-embedding-53601191854152 (READ-ONLY COPY).

The authoritative reference and input builder live on the scoring server;
editing this copy changes nothing except your own understanding.
"""

import jax, jax.numpy as jnp
import numpy as np

VOCAB = 100000
D_MODEL = 1024
BATCH = 1024
SEQ = 50


def setup_inputs(seed: int = 0) -> dict:
    key = jax.random.key(seed)
    k1, k2 = jax.random.split(key)
    input_ids = jax.random.randint(k1, (BATCH, SEQ), 0, VOCAB, dtype=jnp.int32)
    attention_mask = jnp.ones((BATCH, SEQ), dtype=jnp.int32)
    # Trainable embedding table (use_pretrained_embeddings=False path): nn.Embedding(vocab, 1024)
    table = jax.random.normal(k2, (VOCAB, D_MODEL), dtype=jnp.float32)
    return {"input_ids": input_ids, "attention_mask": attention_mask, "table": table}


def reference(input_ids, attention_mask, table):
    # texts is None, input_ids provided -> skip tokenizer path
    # attention_mask provided -> skip ones_like fallback
    embeddings = jnp.take(table, input_ids, axis=0)  # (B, S, d_model)
    return (embeddings, attention_mask)

if __name__ == "__main__":
    import jax
    _d = setup_inputs()
    print(jax.jit(kernel)(*tuple(_d.values())))

</pallas_src>

<mosaic_0001>
#map = affine_map<(d0, d1) -> (0)>
#map1 = affine_map<(d0, d1) -> (0, 0)>
module attributes {stable_mosaic.version = 14 : i64} {
  func.func @lookup(%arg0: i32, %arg1: i32, %arg2: memref<51200xi32, #tpu.memory_space<hbm>>, %arg3: memref<100000x1024xf32, #tpu.memory_space<hbm>>, %arg4: memref<51200x1024xf32, #tpu.memory_space<hbm>>, %arg5: memref<1600xi32, #tpu.memory_space<vmem>>, %arg6: memref<3x40x1024xf32, #tpu.memory_space<vmem>>, %arg7: memref<!tpu.dma_semaphore, #tpu.memory_space<semaphore_mem>>, %arg8: memref<!tpu.dma_semaphore, #tpu.memory_space<semaphore_mem>>, %arg9: memref<!tpu.dma_semaphore, #tpu.memory_space<semaphore_mem>>, %arg10: memref<!tpu.dma_semaphore, #tpu.memory_space<semaphore_mem>>, %arg11: memref<!tpu.dma_semaphore, #tpu.memory_space<semaphore_mem>>, %arg12: memref<!tpu.dma_semaphore, #tpu.memory_space<semaphore_mem>>) attributes {dimension_semantics = [#tpu.dimension_semantics<core_parallel>, #tpu.dimension_semantics<subcore_parallel>], iteration_bounds = array<i64: 2, 16>, scalar_prefetch = 0 : i64, scratch_operands = 8 : i64, tpu.core_type = #tpu.core_type<sc_vector_subcore>, window_params = [{transform_indices = #map}, {transform_indices = #map1}, {transform_indices = #map1}]} {
    %mul3A = arith.constant 2 : i32
    %mul3A_0 = arith.muli %arg1, %mul3A : i32
    %add3A = arith.addi %mul3A_0, %arg0 : i32
    %mul3A_1 = arith.constant 1600 : i32
    %mul3A_2 = arith.muli %add3A, %mul3A_1 : i32
    "tpu.region"() ({
      %run_scoped3A = tpu.sem_alloc : memref<!tpu.dma_semaphore, #tpu.memory_space<semaphore_mem>>
      %dma_start3A_95 = tpu.memref_slice %arg2[%mul3A_2] : memref<51200xi32, #tpu.memory_space<hbm>> -> memref<1600xi32, #tpu.memory_space<hbm>>
      %dma_start3A_96 = tpu.memref_slice %arg2[%mul3A_2] : memref<51200xi32, #tpu.memory_space<hbm>> -> memref<1600xi32, #tpu.memory_space<hbm>>
      tpu.enqueue_dma source(%dma_start3A_96 : memref<1600xi32, #tpu.memory_space<hbm>>) target(%arg5 : memref<1600xi32, #tpu.memory_space<vmem>>) target_semaphore(%run_scoped3A : memref<!tpu.dma_semaphore, #tpu.memory_space<semaphore_mem>>)
      %dma_wait3A_97 = tpu.memref_slice %arg2[%mul3A_2] : memref<51200xi32, #tpu.memory_space<hbm>> -> memref<1600xi32, #tpu.memory_space<hbm>>
      %dma_wait3A_98 = tpu.memref_slice %arg2[%mul3A_2] : memref<51200xi32, #tpu.memory_space<hbm>> -> memref<1600xi32, #tpu.memory_space<hbm>>
      tpu.wait_dma2 semaphore(%run_scoped3A : memref<!tpu.dma_semaphore, #tpu.memory_space<semaphore_mem>>) src(%dma_wait3A_98 : memref<1600xi32, #tpu.memory_space<hbm>>) dst(%arg5 : memref<1600xi32, #tpu.memory_space<vmem>>)
      tpu.yield
    }) : () -> ()
    %dma_start3A = arith.constant 0 : i32
    %dma_start3A_3 = arith.constant 0 : i32
    %dma_start3A_4 = arith.constant 0 : i32
    %dma_start3A_5 = tpu.memref_slice %arg6[%dma_start3A, %dma_start3A_3, %dma_start3A_4] : memref<3x40x1024xf32, #tpu.memory_space<vmem>> -> memref<1x40x1024xf32, #tpu.memory_space<vmem>>
    %dma_start3A_6 = tpu.memref_squeeze %dma_start3A_5 : memref<1x40x1024xf32, #tpu.memory_space<vmem>> -> memref<40x1024xf32, #tpu.memory_space<vmem>>
    %dma_start3A_7 = arith.constant 0 : i32
    %dma_start3A_8 = tpu.memref_slice %arg5[%dma_start3A_7] : memref<1600xi32, #tpu.memory_space<vmem>> -> memref<40xi32, #tpu.memory_space<vmem>>
    %dma_start3A_9 = arith.constant 0 : i32
    %dma_start3A_10 = arith.constant 0 : i32
    %dma_start3A_11 = tpu.memref_slice %arg3[%dma_start3A_9, %dma_start3A_10] : memref<100000x1024xf32, #tpu.memory_space<hbm>> -> memref<100000x1024xf32, #tpu.memory_space<hbm>>
    tpu.enqueue_indirect_dma source(%dma_start3A_11 : memref<100000x1024xf32, #tpu.memory_space<hbm>>) target(%dma_start3A_6 : memref<40x1024xf32, #tpu.memory_space<vmem>>) offsets(%dma_start3A_8 : memref<40xi32, #tpu.memory_space<vmem>>) semaphore(%arg7 : memref<!tpu.dma_semaphore, #tpu.memory_space<semaphore_mem>>)
    %dma_start3A_12 = arith.constant 1 : i32
    %dma_start3A_13 = arith.constant 0 : i32
    %dma_start3A_14 = arith.constant 0 : i32
    %dma_start3A_15 = tpu.memref_slice %arg6[%dma_start3A_12, %dma_start3A_13, %dma_start3A_14] : memref<3x40x1024xf32, #tpu.memory_space<vmem>> -> memref<1x40x1024xf32, #tpu.memory_space<vmem>>
    %dma_start3A_16 = tpu.memref_squeeze %dma_start3A_15 : memref<1x40x1024xf32, #tpu.memory_space<vmem>> -> memref<40x1024xf32, #tpu.memory_space<vmem>>
    %dma_start3A_17 = arith.constant 40 : i32
    %dma_start3A_18 = tpu.memref_slice %arg5[%dma_start3A_17] : memref<1600xi32, #tpu.memory_space<vmem>> -> memref<40xi32, #tpu.memory_space<vmem>>
    %dma_start3A_19 = arith.constant 0 : i32
    %dma_start3A_20 = arith.constant 0 : i32
    %dma_start3A_21 = tpu.memref_slice %arg3[%dma_start3A_19, %dma_start3A_20] : memref<100000x1024xf32, #tpu.memory_space<hbm>> -> memref<100000x1024xf32, #tpu.memory_space<hbm>>
    tpu.enqueue_indirect_dma source(%dma_start3A_21 : memref<100000x1024xf32, #tpu.memory_space<hbm>>) target(%dma_start3A_16 : memref<40x1024xf32, #tpu.memory_space<vmem>>) offsets(%dma_start3A_18 : memref<40xi32, #tpu.memory_space<vmem>>) semaphore(%arg8 : memref<!tpu.dma_semaphore, #tpu.memory_space<semaphore_mem>>)
    %scan3A = arith.constant 0 : i32
    %scan3A_22 = arith.constant 13 : i32
    %scan3A_23 = arith.addi %scan3A, %scan3A_22 : i32
    %scan3A_24 = arith.constant 1 : i32
    scf.for %scan3A_95 = %scan3A to %scan3A_23 step %scan3A_24  : i32 {
      %mul3A_96 = arith.constant 1 : i32
      %mul3A_97 = arith.muli %scan3A_95, %mul3A_96 : i32
      %add3A_98 = arith.constant 0 : i32
      %add3A_99 = arith.addi %add3A_98, %mul3A_97 : i32
      %mul3A_100 = arith.constant 3 : i32
      %mul3A_101 = arith.muli %add3A_99, %mul3A_100 : i32
      %add3A_102 = arith.constant 0 : i32
      %add3A_103 = arith.addi %mul3A_101, %add3A_102 : i32
      %add3A_104 = arith.constant 2 : i32
      %add3A_105 = arith.addi %add3A_103, %add3A_104 : i32
      %sub3A = arith.constant 3 : i32
      %sub3A_106 = arith.subi %add3A_105, %sub3A : i32
      %ge3A = arith.constant 0 : i32
      %ge3A_107 = arith.cmpi sge, %sub3A_106, %ge3A : i32
      %lt3A = arith.constant 40 : i32
      %lt3A_108 = arith.cmpi slt, %add3A_105, %lt3A : i32
      %and3A = arith.andi %ge3A_107, %lt3A_108 : i1
      %convert_element_type3A = arith.extui %and3A : i1 to i32
      %cond3A = arith.constant 0 : i32
      %cond3A_109 = arith.cmpi ne, %convert_element_type3A, %cond3A : i32
      scf.if %cond3A_109 {
        %mul3A_234 = arith.constant 40 : i32
        %mul3A_235 = arith.muli %sub3A_106, %mul3A_234 : i32
        %add3A_236 = arith.addi %mul3A_2, %mul3A_235 : i32
        %dma_wait3A_237 = arith.constant 2 : i32
        %dma_wait3A_238 = arith.constant 0 : i32
        %dma_wait3A_239 = arith.constant 0 : i32
        %dma_wait3A_240 = tpu.memref_slice %arg6[%dma_wait3A_237, %dma_wait3A_238, %dma_wait3A_239] : memref<3x40x1024xf32, #tpu.memory_space<vmem>> -> memref<1x40x1024xf32, #tpu.memory_space<vmem>>
        %dma_wait3A_241 = tpu.memref_squeeze %dma_wait3A_240 : memref<1x40x1024xf32, #tpu.memory_space<vmem>> -> memref<40x1024xf32, #tpu.memory_space<vmem>>
        %dma_wait3A_242 = arith.constant 0 : i32
        %dma_wait3A_243 = tpu.memref_slice %arg4[%add3A_236, %dma_wait3A_242] : memref<51200x1024xf32, #tpu.memory_space<hbm>> -> memref<40x1024xf32, #tpu.memory_space<hbm>>
        %dma_wait3A_244 = arith.constant 0 : i32
        %dma_wait3A_245 = tpu.memref_slice %arg4[%add3A_236, %dma_wait3A_244] : memref<51200x1024xf32, #tpu.memory_space<hbm>> -> memref<40x1024xf32, #tpu.memory_space<hbm>>
        %dma_wait3A_246 = arith.constant 0 : i32
        %dma_wait3A_247 = arith.constant 0 : i32
        %dma_wait3A_248 = tpu.memref_slice %arg6[%dma_wait3A_237, %dma_wait3A_246, %dma_wait3A_247] : memref<3x40x1024xf32, #tpu.memory_space<vmem>> -> memref<1x40x1024xf32, #tpu.memory_space<vmem>>
        %dma_wait3A_249 = tpu.memref_squeeze %dma_wait3A_248 : memref<1x40x1024xf32, #tpu.memory_space<vmem>> -> memref<40x1024xf32, #tpu.memory_space<vmem>>
        tpu.wait_dma2 semaphore(%arg12 : memref<!tpu.dma_semaphore, #tpu.memory_space<semaphore_mem>>) src(%dma_wait3A_249 : memref<40x1024xf32, #tpu.memory_space<vmem>>) dst(%dma_wait3A_245 : memref<40x1024xf32, #tpu.memory_space<hbm>>)
      } else {
      }
      %lt3A_110 = arith.constant 40 : i32
      %lt3A_111 = arith.cmpi slt, %add3A_105, %lt3A_110 : i32
      %convert_element_type3A_112 = arith.extui %lt3A_111 : i1 to i32
      %cond3A_113 = arith.constant 0 : i32
      %cond3A_114 = arith.cmpi ne, %convert_element_type3A_112, %cond3A_113 : i32
      scf.if %cond3A_114 {
        %mul3A_234 = arith.constant 40 : i32
        %mul3A_235 = arith.muli %add3A_105, %mul3A_234 : i32
        %dma_start3A_236 = arith.constant 2 : i32
        %dma_start3A_237 = arith.constant 0 : i32
        %dma_start3A_238 = arith.constant 0 : i32
        %dma_start3A_239 = tpu.memref_slice %arg6[%dma_start3A_236, %dma_start3A_237, %dma_start3A_238] : memref<3x40x1024xf32, #tpu.memory_space<vmem>> -> memref<1x40x1024xf32, #tpu.memory_space<vmem>>
        %dma_start3A_240 = tpu.memref_squeeze %dma_start3A_239 : memref<1x40x1024xf32, #tpu.memory_space<vmem>> -> memref<40x1024xf32, #tpu.memory_space<vmem>>
        %dma_start3A_241 = tpu.memref_slice %arg5[%mul3A_235] : memref<1600xi32, #tpu.memory_space<vmem>> -> memref<40xi32, #tpu.memory_space<vmem>>
        %dma_start3A_242 = arith.constant 0 : i32
        %dma_start3A_243 = arith.constant 0 : i32
        %dma_start3A_244 = tpu.memref_slice %arg3[%dma_start3A_242, %dma_start3A_243] : memref<100000x1024xf32, #tpu.memory_space<hbm>> -> memref<100000x1024xf32, #tpu.memory_space<hbm>>
        tpu.enqueue_indirect_dma source(%dma_start3A_244 : memref<100000x1024xf32, #tpu.memory_space<hbm>>) target(%dma_start3A_240 : memref<40x1024xf32, #tpu.memory_space<vmem>>) offsets(%dma_start3A_241 : memref<40xi32, #tpu.memory_space<vmem>>) semaphore(%arg9 : memref<!tpu.dma_semaphore, #tpu.memory_space<semaphore_mem>>)
      } else {
      }
      %mul3A_115 = arith.constant 40 : i32
      %mul3A_116 = arith.muli %add3A_103, %mul3A_115 : i32
      %dma_wait3A_117 = arith.constant 0 : i32
      %dma_wait3A_118 = arith.constant 0 : i32
      %dma_wait3A_119 = arith.constant 0 : i32
      %dma_wait3A_120 = tpu.memref_slice %arg6[%dma_wait3A_117, %dma_wait3A_118, %dma_wait3A_119] : memref<3x40x1024xf32, #tpu.memory_space<vmem>> -> memref<1x40x1024xf32, #tpu.memory_space<vmem>>
      %dma_wait3A_121 = tpu.memref_squeeze %dma_wait3A_120 : memref<1x40x1024xf32, #tpu.memory_space<vmem>> -> memref<40x1024xf32, #tpu.memory_space<vmem>>
      %dma_wait3A_122 = tpu.memref_slice %arg5[%mul3A_116] : memref<1600xi32, #tpu.memory_space<vmem>> -> memref<40xi32, #tpu.memory_space<vmem>>
      %dma_wait3A_123 = arith.constant 0 : i32
      %dma_wait3A_124 = arith.constant 0 : i32
      %dma_wait3A_125 = tpu.memref_slice %arg3[%dma_wait3A_123, %dma_wait3A_124] : memref<100000x1024xf32, #tpu.memory_space<hbm>> -> memref<100000x1024xf32, #tpu.memory_space<hbm>>
      tpu.wait_indirect_dma semaphore(%arg7 : memref<!tpu.dma_semaphore, #tpu.memory_space<semaphore_mem>>) src(%dma_wait3A_125 : memref<100000x1024xf32, #tpu.memory_space<hbm>>) dst(%dma_wait3A_121 : memref<40x1024xf32, #tpu.memory_space<vmem>>)
      %mul3A_126 = arith.constant 40 : i32
      %mul3A_127 = arith.muli %add3A_103, %mul3A_126 : i32
      %add3A_128 = arith.addi %mul3A_2, %mul3A_127 : i32
      %dma_start3A_129 = arith.constant 0 : i32
      %dma_start3A_130 = arith.constant 0 : i32
      %dma_start3A_131 = arith.constant 0 : i32
      %dma_start3A_132 = tpu.memref_slice %arg6[%dma_start3A_129, %dma_start3A_130, %dma_start3A_131] : memref<3x40x1024xf32, #tpu.memory_space<vmem>> -> memref<1x40x1024xf32, #tpu.memory_space<vmem>>
      %dma_start3A_133 = tpu.memref_squeeze %dma_start3A_132 : memref<1x40x1024xf32, #tpu.memory_space<vmem>> -> memref<40x1024xf32, #tpu.memory_space<vmem>>
      %dma_start3A_134 = arith.constant 0 : i32
      %dma_start3A_135 = tpu.memref_slice %arg4[%add3A_128, %dma_start3A_134] : memref<51200x1024xf32, #tpu.memory_space<hbm>> -> memref<40x1024xf32, #tpu.memory_space<hbm>>
      %dma_start3A_136 = arith.constant 0 : i32
      %dma_start3A_137 = tpu.memref_slice %arg4[%add3A_128, %dma_start3A_136] : memref<51200x1024xf32, #tpu.memory_space<hbm>> -> memref<40x1024xf32, #tpu.memory_space<hbm>>
      %dma_start3A_138 = arith.constant 0 : i32
      %dma_start3A_139 = arith.constant 0 : i32
      %dma_start3A_140 = tpu.memref_slice %arg6[%dma_start3A_129, %dma_start3A_138, %dma_start3A_139] : memref<3x40x1024xf32, #tpu.memory_space<vmem>> -> memref<1x40x1024xf32, #tpu.memory_space<vmem>>
      %dma_start3A_141 = tpu.memref_squeeze %dma_start3A_140 : memref<1x40x1024xf32, #tpu.memory_space<vmem>> -> memref<40x1024xf32, #tpu.memory_space<vmem>>
      tpu.enqueue_dma source(%dma_start3A_141 : memref<40x1024xf32, #tpu.memory_space<vmem>>) target(%dma_start3A_137 : memref<40x1024xf32, #tpu.memory_space<hbm>>) target_semaphore(%arg10 : memref<!tpu.dma_semaphore, #tpu.memory_space<semaphore_mem>>)
      %add3A_142 = arith.constant 1 : i32
      %add3A_143 = arith.addi %mul3A_101, %add3A_142 : i32
      %add3A_144 = arith.constant 2 : i32
      %add3A_145 = arith.addi %add3A_143, %add3A_144 : i32
      %sub3A_146 = arith.constant 3 : i32
      %sub3A_147 = arith.subi %add3A_145, %sub3A_146 : i32
      %ge3A_148 = arith.constant 0 : i32
      %ge3A_149 = arith.cmpi sge, %sub3A_147, %ge3A_148 : i32
      %lt3A_150 = arith.constant 40 : i32
      %lt3A_151 = arith.cmpi slt, %add3A_145, %lt3A_150 : i32
      %and3A_152 = arith.andi %ge3A_149, %lt3A_151 : i1
      %convert_element_type3A_153 = arith.extui %and3A_152 : i1 to i32
      %cond3A_154 = arith.constant 0 : i32
      %cond3A_155 = arith.cmpi ne, %convert_element_type3A_153, %cond3A_154 : i32
      scf.if %cond3A_155 {
        %mul3A_234 = arith.constant 40 : i32
        %mul3A_235 = arith.muli %sub3A_147, %mul3A_234 : i32
        %add3A_236 = arith.addi %mul3A_2, %mul3A_235 : i32
        %dma_wait3A_237 = arith.constant 0 : i32
        %dma_wait3A_238 = arith.constant 0 : i32
        %dma_wait3A_239 = arith.constant 0 : i32
        %dma_wait3A_240 = tpu.memref_slice %arg6[%dma_wait3A_237, %dma_wait3A_238, %dma_wait3A_239] : memref<3x40x1024xf32, #tpu.memory_space<vmem>> -> memref<1x40x1024xf32, #tpu.memory_space<vmem>>
        %dma_wait3A_241 = tpu.memref_squeeze %dma_wait3A_240 : memref<1x40x1024xf32, #tpu.memory_space<vmem>> -> memref<40x1024xf32, #tpu.memory_space<vmem>>
        %dma_wait3A_242 = arith.constant 0 : i32
        %dma_wait3A_243 = tpu.memref_slice %arg4[%add3A_236, %dma_wait3A_242] : memref<51200x1024xf32, #tpu.memory_space<hbm>> -> memref<40x1024xf32, #tpu.memory_space<hbm>>
        %dma_wait3A_244 = arith.constant 0 : i32
        %dma_wait3A_245 = tpu.memref_slice %arg4[%add3A_236, %dma_wait3A_244] : memref<51200x1024xf32, #tpu.memory_space<hbm>> -> memref<40x1024xf32, #tpu.memory_space<hbm>>
        %dma_wait3A_246 = arith.constant 0 : i32
        %dma_wait3A_247 = arith.constant 0 : i32
        %dma_wait3A_248 = tpu.memref_slice %arg6[%dma_wait3A_237, %dma_wait3A_246, %dma_wait3A_247] : memref<3x40x1024xf32, #tpu.memory_space<vmem>> -> memref<1x40x1024xf32, #tpu.memory_space<vmem>>
        %dma_wait3A_249 = tpu.memref_squeeze %dma_wait3A_248 : memref<1x40x1024xf32, #tpu.memory_space<vmem>> -> memref<40x1024xf32, #tpu.memory_space<vmem>>
        tpu.wait_dma2 semaphore(%arg10 : memref<!tpu.dma_semaphore, #tpu.memory_space<semaphore_mem>>) src(%dma_wait3A_249 : memref<40x1024xf32, #tpu.memory_space<vmem>>) dst(%dma_wait3A_245 : memref<40x1024xf32, #tpu.memory_space<hbm>>)
      } else {
      }
      %lt3A_156 = arith.constant 40 : i32
      %lt3A_157 = arith.cmpi slt, %add3A_145, %lt3A_156 : i32
      %convert_element_type3A_158 = arith.extui %lt3A_157 : i1 to i32
      %cond3A_159 = arith.constant 0 : i32
      %cond3A_160 = arith.cmpi ne, %convert_element_type3A_158, %cond3A_159 : i32
      scf.if %cond3A_160 {
        %mul3A_234 = arith.constant 40 : i32
        %mul3A_235 = arith.muli %add3A_145, %mul3A_234 : i32
        %dma_start3A_236 = arith.constant 0 : i32
        %dma_start3A_237 = arith.constant 0 : i32
        %dma_start3A_238 = arith.constant 0 : i32
        %dma_start3A_239 = tpu.memref_slice %arg6[%dma_start3A_236, %dma_start3A_237, %dma_start3A_238] : memref<3x40x1024xf32, #tpu.memory_space<vmem>> -> memref<1x40x1024xf32, #tpu.memory_space<vmem>>
        %dma_start3A_240 = tpu.memref_squeeze %dma_start3A_239 : memref<1x40x1024xf32, #tpu.memory_space<vmem>> -> memref<40x1024xf32, #tpu.memory_space<vmem>>
        %dma_start3A_241 = tpu.memref_slice %arg5[%mul3A_235] : memref<1600xi32, #tpu.memory_space<vmem>> -> memref<40xi32, #tpu.memory_space<vmem>>
        %dma_start3A_242 = arith.constant 0 : i32
        %dma_start3A_243 = arith.constant 0 : i32
        %dma_start3A_244 = tpu.memref_slice %arg3[%dma_start3A_242, %dma_start3A_243] : memref<100000x1024xf32, #tpu.memory_space<hbm>> -> memref<100000x1024xf32, #tpu.memory_space<hbm>>
        tpu.enqueue_indirect_dma source(%dma_start3A_244 : memref<100000x1024xf32, #tpu.memory_space<hbm>>) target(%dma_start3A_240 : memref<40x1024xf32, #tpu.memory_space<vmem>>) offsets(%dma_start3A_241 : memref<40xi32, #tpu.memory_space<vmem>>) semaphore(%arg7 : memref<!tpu.dma_semaphore, #tpu.memory_space<semaphore_mem>>)
      } else {
      }
      %mul3A_161 = arith.constant 40 : i32
      %mul3A_162 = arith.muli %add3A_143, %mul3A_161 : i32
      %dma_wait3A_163 = arith.constant 1 : i32
      %dma_wait3A_164 = arith.constant 0 : i32
      %dma_wait3A_165 = arith.constant 0 : i32
      %dma_wait3A_166 = tpu.memref_slice %arg6[%dma_wait3A_163, %dma_wait3A_164, %dma_wait3A_165] : memref<3x40x1024xf32, #tpu.memory_space<vmem>> -> memref<1x40x1024xf32, #tpu.memory_space<vmem>>
      %dma_wait3A_167 = tpu.memref_squeeze %dma_wait3A_166 : memref<1x40x1024xf32, #tpu.memory_space<vmem>> -> memref<40x1024xf32, #tpu.memory_space<vmem>>
      %dma_wait3A_168 = tpu.memref_slice %arg5[%mul3A_162] : memref<1600xi32, #tpu.memory_space<vmem>> -> memref<40xi32, #tpu.memory_space<vmem>>
      %dma_wait3A_169 = arith.constant 0 : i32
      %dma_wait3A_170 = arith.constant 0 : i32
      %dma_wait3A_171 = tpu.memref_slice %arg3[%dma_wait3A_169, %dma_wait3A_170] : memref<100000x1024xf32, #tpu.memory_space<hbm>> -> memref<100000x1024xf32, #tpu.memory_space<hbm>>
      tpu.wait_indirect_dma semaphore(%arg8 : memref<!tpu.dma_semaphore, #tpu.memory_space<semaphore_mem>>) src(%dma_wait3A_171 : memref<100000x1024xf32, #tpu.memory_space<hbm>>) dst(%dma_wait3A_167 : memref<40x1024xf32, #tpu.memory_space<vmem>>)
      %mul3A_172 = arith.constant 40 : i32
      %mul3A_173 = arith.muli %add3A_143, %mul3A_172 : i32
      %add3A_174 = arith.addi %mul3A_2, %mul3A_173 : i32
      %dma_start3A_175 = arith.constant 1 : i32
      %dma_start3A_176 = arith.constant 0 : i32
      %dma_start3A_177 = arith.constant 0 : i32
      %dma_start3A_178 = tpu.memref_slice %arg6[%dma_start3A_175, %dma_start3A_176, %dma_start3A_177] : memref<3x40x1024xf32, #tpu.memory_space<vmem>> -> memref<1x40x1024xf32, #tpu.memory_space<vmem>>
      %dma_start3A_179 = tpu.memref_squeeze %dma_start3A_178 : memref<1x40x1024xf32, #tpu.memory_space<vmem>> -> memref<40x1024xf32, #tpu.memory_space<vmem>>
      %dma_start3A_180 = arith.constant 0 : i32
      %dma_start3A_181 = tpu.memref_slice %arg4[%add3A_174, %dma_start3A_180] : memref<51200x1024xf32, #tpu.memory_space<hbm>> -> memref<40x1024xf32, #tpu.memory_space<hbm>>
      %dma_start3A_182 = arith.constant 0 : i32
      %dma_start3A_183 = tpu.memref_slice %arg4[%add3A_174, %dma_start3A_182] : memref<51200x1024xf32, #tpu.memory_space<hbm>> -> memref<40x1024xf32, #tpu.memory_space<hbm>>
      %dma_start3A_184 = arith.constant 0 : i32
      %dma_start3A_185 = arith.constant 0 : i32
      %dma_start3A_186 = tpu.memref_slice %arg6[%dma_start3A_175, %dma_start3A_184, %dma_start3A_185] : memref<3x40x1024xf32, #tpu.memory_space<vmem>> -> memref<1x40x1024xf32, #tpu.memory_space<vmem>>
      %dma_start3A_187 = tpu.memref_squeeze %dma_start3A_186 : memref<1x40x1024xf32, #tpu.memory_space<vmem>> -> memref<40x1024xf32, #tpu.memory_space<vmem>>
      tpu.enqueue_dma source(%dma_start3A_187 : memref<40x1024xf32, #tpu.memory_space<vmem>>) target(%dma_start3A_183 : memref<40x1024xf32, #tpu.memory_space<hbm>>) target_semaphore(%arg11 : memref<!tpu.dma_semaphore, #tpu.memory_space<semaphore_mem>>)
      %add3A_188 = arith.constant 2 : i32
      %add3A_189 = arith.addi %mul3A_101, %add3A_188 : i32
      %add3A_190 = arith.constant 2 : i32
      %add3A_191 = arith.addi %add3A_189, %add3A_190 : i32
      %sub3A_192 = arith.constant 3 : i32
      %sub3A_193 = arith.subi %add3A_191, %sub3A_192 : i32
      %ge3A_194 = arith.constant 0 : i32
      %ge3A_195 = arith.cmpi sge, %sub3A_193, %ge3A_194 : i32
      %lt3A_196 = arith.constant 40 : i32
      %lt3A_197 = arith.cmpi slt, %add3A_191, %lt3A_196 : i32
      %and3A_198 = arith.andi %ge3A_195, %lt3A_197 : i1
      %convert_element_type3A_199 = arith.extui %and3A_198 : i1 to i32
      %cond3A_200 = arith.constant 0 : i32
      %cond3A_201 = arith.cmpi ne, %convert_element_type3A_199, %cond3A_200 : i32
      scf.if %cond3A_201 {
        %mul3A_234 = arith.constant 40 : i32
        %mul3A_235 = arith.muli %sub3A_193, %mul3A_234 : i32
        %add3A_236 = arith.addi %mul3A_2, %mul3A_235 : i32
        %dma_wait3A_237 = arith.constant 1 : i32
        %dma_wait3A_238 = arith.constant 0 : i32
        %dma_wait3A_239 = arith.constant 0 : i32
        %dma_wait3A_240 = tpu.memref_slice %arg6[%dma_wait3A_237, %dma_wait3A_238, %dma_wait3A_239] : memref<3x40x1024xf32, #tpu.memory_space<vmem>> -> memref<1x40x1024xf32, #tpu.memory_space<vmem>>
        %dma_wait3A_241 = tpu.memref_squeeze %dma_wait3A_240 : memref<1x40x1024xf32, #tpu.memory_space<vmem>> -> memref<40x1024xf32, #tpu.memory_space<vmem>>
        %dma_wait3A_242 = arith.constant 0 : i32
        %dma_wait3A_243 = tpu.memref_slice %arg4[%add3A_236, %dma_wait3A_242] : memref<51200x1024xf32, #tpu.memory_space<hbm>> -> memref<40x1024xf32, #tpu.memory_space<hbm>>
        %dma_wait3A_244 = arith.constant 0 : i32
        %dma_wait3A_245 = tpu.memref_slice %arg4[%add3A_236, %dma_wait3A_244] : memref<51200x1024xf32, #tpu.memory_space<hbm>> -> memref<40x1024xf32, #tpu.memory_space<hbm>>
        %dma_wait3A_246 = arith.constant 0 : i32
        %dma_wait3A_247 = arith.constant 0 : i32
        %dma_wait3A_248 = tpu.memref_slice %arg6[%dma_wait3A_237, %dma_wait3A_246, %dma_wait3A_247] : memref<3x40x1024xf32, #tpu.memory_space<vmem>> -> memref<1x40x1024xf32, #tpu.memory_space<vmem>>
        %dma_wait3A_249 = tpu.memref_squeeze %dma_wait3A_248 : memref<1x40x1024xf32, #tpu.memory_space<vmem>> -> memref<40x1024xf32, #tpu.memory_space<vmem>>
        tpu.wait_dma2 semaphore(%arg11 : memref<!tpu.dma_semaphore, #tpu.memory_space<semaphore_mem>>) src(%dma_wait3A_249 : memref<40x1024xf32, #tpu.memory_space<vmem>>) dst(%dma_wait3A_245 : memref<40x1024xf32, #tpu.memory_space<hbm>>)
      } else {
      }
      %lt3A_202 = arith.constant 40 : i32
      %lt3A_203 = arith.cmpi slt, %add3A_191, %lt3A_202 : i32
      %convert_element_type3A_204 = arith.extui %lt3A_203 : i1 to i32
      %cond3A_205 = arith.constant 0 : i32
      %cond3A_206 = arith.cmpi ne, %convert_element_type3A_204, %cond3A_205 : i32
      scf.if %cond3A_206 {
        %mul3A_234 = arith.constant 40 : i32
        %mul3A_235 = arith.muli %add3A_191, %mul3A_234 : i32
        %dma_start3A_236 = arith.constant 1 : i32
        %dma_start3A_237 = arith.constant 0 : i32
        %dma_start3A_238 = arith.constant 0 : i32
        %dma_start3A_239 = tpu.memref_slice %arg6[%dma_start3A_236, %dma_start3A_237, %dma_start3A_238] : memref<3x40x1024xf32, #tpu.memory_space<vmem>> -> memref<1x40x1024xf32, #tpu.memory_space<vmem>>
        %dma_start3A_240 = tpu.memref_squeeze %dma_start3A_239 : memref<1x40x1024xf32, #tpu.memory_space<vmem>> -> memref<40x1024xf32, #tpu.memory_space<vmem>>
        %dma_start3A_241 = tpu.memref_slice %arg5[%mul3A_235] : memref<1600xi32, #tpu.memory_space<vmem>> -> memref<40xi32, #tpu.memory_space<vmem>>
        %dma_start3A_242 = arith.constant 0 : i32
        %dma_start3A_243 = arith.constant 0 : i32
        %dma_start3A_244 = tpu.memref_slice %arg3[%dma_start3A_242, %dma_start3A_243] : memref<100000x1024xf32, #tpu.memory_space<hbm>> -> memref<100000x1024xf32, #tpu.memory_space<hbm>>
        tpu.enqueue_indirect_dma source(%dma_start3A_244 : memref<100000x1024xf32, #tpu.memory_space<hbm>>) target(%dma_start3A_240 : memref<40x1024xf32, #tpu.memory_space<vmem>>) offsets(%dma_start3A_241 : memref<40xi32, #tpu.memory_space<vmem>>) semaphore(%arg8 : memref<!tpu.dma_semaphore, #tpu.memory_space<semaphore_mem>>)
      } else {
      }
      %mul3A_207 = arith.constant 40 : i32
      %mul3A_208 = arith.muli %add3A_189, %mul3A_207 : i32
      %dma_wait3A_209 = arith.constant 2 : i32
      %dma_wait3A_210 = arith.constant 0 : i32
      %dma_wait3A_211 = arith.constant 0 : i32
      %dma_wait3A_212 = tpu.memref_slice %arg6[%dma_wait3A_209, %dma_wait3A_210, %dma_wait3A_211] : memref<3x40x1024xf32, #tpu.memory_space<vmem>> -> memref<1x40x1024xf32, #tpu.memory_space<vmem>>
      %dma_wait3A_213 = tpu.memref_squeeze %dma_wait3A_212 : memref<1x40x1024xf32, #tpu.memory_space<vmem>> -> memref<40x1024xf32, #tpu.memory_space<vmem>>
      %dma_wait3A_214 = tpu.memref_slice %arg5[%mul3A_208] : memref<1600xi32, #tpu.memory_space<vmem>> -> memref<40xi32, #tpu.memory_space<vmem>>
      %dma_wait3A_215 = arith.constant 0 : i32
      %dma_wait3A_216 = arith.constant 0 : i32
      %dma_wait3A_217 = tpu.memref_slice %arg3[%dma_wait3A_215, %dma_wait3A_216] : memref<100000x1024xf32, #tpu.memory_space<hbm>> -> memref<100000x1024xf32, #tpu.memory_space<hbm>>
      tpu.wait_indirect_dma semaphore(%arg9 : memref<!tpu.dma_semaphore, #tpu.memory_space<semaphore_mem>>) src(%dma_wait3A_217 : memref<100000x1024xf32, #tpu.memory_space<hbm>>) dst(%dma_wait3A_213 : memref<40x1024xf32, #tpu.memory_space<vmem>>)
      %mul3A_218 = arith.constant 40 : i32
      %mul3A_219 = arith.muli %add3A_189, %mul3A_218 : i32
      %add3A_220 = arith.addi %mul3A_2, %mul3A_219 : i32
      %dma_start3A_221 = arith.constant 2 : i32
      %dma_start3A_222 = arith.constant 0 : i32
      %dma_start3A_223 = arith.constant 0 : i32
      %dma_start3A_224 = tpu.memref_slice %arg6[%dma_start3A_221, %dma_start3A_222, %dma_start3A_223] : memref<3x40x1024xf32, #tpu.memory_space<vmem>> -> memref<1x40x1024xf32, #tpu.memory_space<vmem>>
      %dma_start3A_225 = tpu.memref_squeeze %dma_start3A_224 : memref<1x40x1024xf32, #tpu.memory_space<vmem>> -> memref<40x1024xf32, #tpu.memory_space<vmem>>
      %dma_start3A_226 = arith.constant 0 : i32
      %dma_start3A_227 = tpu.memref_slice %arg4[%add3A_220, %dma_start3A_226] : memref<51200x1024xf32, #tpu.memory_space<hbm>> -> memref<40x1024xf32, #tpu.memory_space<hbm>>
      %dma_start3A_228 = arith.constant 0 : i32
      %dma_start3A_229 = tpu.memref_slice %arg4[%add3A_220, %dma_start3A_228] : memref<51200x1024xf32, #tpu.memory_space<hbm>> -> memref<40x1024xf32, #tpu.memory_space<hbm>>
      %dma_start3A_230 = arith.constant 0 : i32
      %dma_start3A_231 = arith.constant 0 : i32
      %dma_start3A_232 = tpu.memref_slice %arg6[%dma_start3A_221, %dma_start3A_230, %dma_start3A_231] : memref<3x40x1024xf32, #tpu.memory_space<vmem>> -> memref<1x40x1024xf32, #tpu.memory_space<vmem>>
      %dma_start3A_233 = tpu.memref_squeeze %dma_start3A_232 : memref<1x40x1024xf32, #tpu.memory_space<vmem>> -> memref<40x1024xf32, #tpu.memory_space<vmem>>
      tpu.enqueue_dma source(%dma_start3A_233 : memref<40x1024xf32, #tpu.memory_space<vmem>>) target(%dma_start3A_229 : memref<40x1024xf32, #tpu.memory_space<hbm>>) target_semaphore(%arg12 : memref<!tpu.dma_semaphore, #tpu.memory_space<semaphore_mem>>)
    }
    %scan3A_25 = arith.constant 13 : i32
    %dma_wait3A = arith.constant 0 : i32
    %dma_wait3A_26 = arith.constant 0 : i32
    %dma_wait3A_27 = arith.constant 0 : i32
    %dma_wait3A_28 = tpu.memref_slice %arg6[%dma_wait3A, %dma_wait3A_26, %dma_wait3A_27] : memref<3x40x1024xf32, #tpu.memory_space<vmem>> -> memref<1x40x1024xf32, #tpu.memory_space<vmem>>
    %dma_wait3A_29 = tpu.memref_squeeze %dma_wait3A_28 : memref<1x40x1024xf32, #tpu.memory_space<vmem>> -> memref<40x1024xf32, #tpu.memory_space<vmem>>
    %dma_wait3A_30 = arith.constant 1560 : i32
    %dma_wait3A_31 = tpu.memref_slice %arg5[%dma_wait3A_30] : memref<1600xi32, #tpu.memory_space<vmem>> -> memref<40xi32, #tpu.memory_space<vmem>>
    %dma_wait3A_32 = arith.constant 0 : i32
    %dma_wait3A_33 = arith.constant 0 : i32
    %dma_wait3A_34 = tpu.memref_slice %arg3[%dma_wait3A_32, %dma_wait3A_33] : memref<100000x1024xf32, #tpu.memory_space<hbm>> -> memref<100000x1024xf32, #tpu.memory_space<hbm>>
    tpu.wait_indirect_dma semaphore(%arg7 : memref<!tpu.dma_semaphore, #tpu.memory_space<semaphore_mem>>) src(%dma_wait3A_34 : memref<100000x1024xf32, #tpu.memory_space<hbm>>) dst(%dma_wait3A_29 : memref<40x1024xf32, #tpu.memory_space<vmem>>)
    %add3A_35 = arith.constant 1560 : i32
    %add3A_36 = arith.addi %mul3A_2, %add3A_35 : i32
    %dma_start3A_37 = arith.constant 0 : i32
    %dma_start3A_38 = arith.constant 0 : i32
    %dma_start3A_39 = arith.constant 0 : i32
    %dma_start3A_40 = tpu.memref_slice %arg6[%dma_start3A_37, %dma_start3A_38, %dma_start3A_39] : memref<3x40x1024xf32, #tpu.memory_space<vmem>> -> memref<1x40x1024xf32, #tpu.memory_space<vmem>>
    %dma_start3A_41 = tpu.memref_squeeze %dma_start3A_40 : memref<1x40x1024xf32, #tpu.memory_space<vmem>> -> memref<40x1024xf32, #tpu.memory_space<vmem>>
    %dma_start3A_42 = arith.constant 0 : i32
    %dma_start3A_43 = tpu.memref_slice %arg4[%add3A_36, %dma_start3A_42] : memref<51200x1024xf32, #tpu.memory_space<hbm>> -> memref<40x1024xf32, #tpu.memory_space<hbm>>
    %dma_start3A_44 = arith.constant 0 : i32
    %dma_start3A_45 = tpu.memref_slice %arg4[%add3A_36, %dma_start3A_44] : memref<51200x1024xf32, #tpu.memory_space<hbm>> -> memref<40x1024xf32, #tpu.memory_space<hbm>>
    %dma_start3A_46 = arith.constant 0 : i32
    %dma_start3A_47 = arith.constant 0 : i32
    %dma_start3A_48 = tpu.memref_slice %arg6[%dma_start3A_37, %dma_start3A_46, %dma_start3A_47] : memref<3x40x1024xf32, #tpu.memory_space<vmem>> -> memref<1x40x1024xf32, #tpu.memory_space<vmem>>
    %dma_start3A_49 = tpu.memref_squeeze %dma_start3A_48 : memref<1x40x1024xf32, #tpu.memory_space<vmem>> -> memref<40x1024xf32, #tpu.memory_space<vmem>>
    tpu.enqueue_dma source(%dma_start3A_49 : memref<40x1024xf32, #tpu.memory_space<vmem>>) target(%dma_start3A_45 : memref<40x1024xf32, #tpu.memory_space<hbm>>) target_semaphore(%arg10 : memref<!tpu.dma_semaphore, #tpu.memory_space<semaphore_mem>>)
    %add3A_50 = arith.constant 1480 : i32
    %add3A_51 = arith.addi %mul3A_2, %add3A_50 : i32
    %dma_wait3A_52 = arith.constant 1 : i32
    %dma_wait3A_53 = arith.constant 0 : i32
    %dma_wait3A_54 = arith.constant 0 : i32
    %dma_wait3A_55 = tpu.memref_slice %arg6[%dma_wait3A_52, %dma_wait3A_53, %dma_wait3A_54] : memref<3x40x1024xf32, #tpu.memory_space<vmem>> -> memref<1x40x1024xf32, #tpu.memory_space<vmem>>
    %dma_wait3A_56 = tpu.memref_squeeze %dma_wait3A_55 : memref<1x40x1024xf32, #tpu.memory_space<vmem>> -> memref<40x1024xf32, #tpu.memory_space<vmem>>
    %dma_wait3A_57 = arith.constant 0 : i32
    %dma_wait3A_58 = tpu.memref_slice %arg4[%add3A_51, %dma_wait3A_57] : memref<51200x1024xf32, #tpu.memory_space<hbm>> -> memref<40x1024xf32, #tpu.memory_space<hbm>>
    %dma_wait3A_59 = arith.constant 0 : i32
    %dma_wait3A_60 = tpu.memref_slice %arg4[%add3A_51, %dma_wait3A_59] : memref<51200x1024xf32, #tpu.memory_space<hbm>> -> memref<40x1024xf32, #tpu.memory_space<hbm>>
    %dma_wait3A_61 = arith.constant 0 : i32
    %dma_wait3A_62 = arith.constant 0 : i32
    %dma_wait3A_63 = tpu.memref_slice %arg6[%dma_wait3A_52, %dma_wait3A_61, %dma_wait3A_62] : memref<3x40x1024xf32, #tpu.memory_space<vmem>> -> memref<1x40x1024xf32, #tpu.memory_space<vmem>>
    %dma_wait3A_64 = tpu.memref_squeeze %dma_wait3A_63 : memref<1x40x1024xf32, #tpu.memory_space<vmem>> -> memref<40x1024xf32, #tpu.memory_space<vmem>>
    tpu.wait_dma2 semaphore(%arg11 : memref<!tpu.dma_semaphore, #tpu.memory_space<semaphore_mem>>) src(%dma_wait3A_64 : memref<40x1024xf32, #tpu.memory_space<vmem>>) dst(%dma_wait3A_60 : memref<40x1024xf32, #tpu.memory_space<hbm>>)
    %add3A_65 = arith.constant 1520 : i32
    %add3A_66 = arith.addi %mul3A_2, %add3A_65 : i32
    %dma_wait3A_67 = arith.constant 2 : i32
    %dma_wait3A_68 = arith.constant 0 : i32
    %dma_wait3A_69 = arith.constant 0 : i32
    %dma_wait3A_70 = tpu.memref_slice %arg6[%dma_wait3A_67, %dma_wait3A_68, %dma_wait3A_69] : memref<3x40x1024xf32, #tpu.memory_space<vmem>> -> memref<1x40x1024xf32, #tpu.memory_space<vmem>>
    %dma_wait3A_71 = tpu.memref_squeeze %dma_wait3A_70 : memref<1x40x1024xf32, #tpu.memory_space<vmem>> -> memref<40x1024xf32, #tpu.memory_space<vmem>>
    %dma_wait3A_72 = arith.constant 0 : i32
    %dma_wait3A_73 = tpu.memref_slice %arg4[%add3A_66, %dma_wait3A_72] : memref<51200x1024xf32, #tpu.memory_space<hbm>> -> memref<40x1024xf32, #tpu.memory_space<hbm>>
    %dma_wait3A_74 = arith.constant 0 : i32
    %dma_wait3A_75 = tpu.memref_slice %arg4[%add3A_66, %dma_wait3A_74] : memref<51200x1024xf32, #tpu.memory_space<hbm>> -> memref<40x1024xf32, #tpu.memory_space<hbm>>
    %dma_wait3A_76 = arith.constant 0 : i32
    %dma_wait3A_77 = arith.constant 0 : i32
    %dma_wait3A_78 = tpu.memref_slice %arg6[%dma_wait3A_67, %dma_wait3A_76, %dma_wait3A_77] : memref<3x40x1024xf32, #tpu.memory_space<vmem>> -> memref<1x40x1024xf32, #tpu.memory_space<vmem>>
    %dma_wait3A_79 = tpu.memref_squeeze %dma_wait3A_78 : memref<1x40x1024xf32, #tpu.memory_space<vmem>> -> memref<40x1024xf32, #tpu.memory_space<vmem>>
    tpu.wait_dma2 semaphore(%arg12 : memref<!tpu.dma_semaphore, #tpu.memory_space<semaphore_mem>>) src(%dma_wait3A_79 : memref<40x1024xf32, #tpu.memory_space<vmem>>) dst(%dma_wait3A_75 : memref<40x1024xf32, #tpu.memory_space<hbm>>)
    %add3A_80 = arith.constant 1560 : i32
    %add3A_81 = arith.addi %mul3A_2, %add3A_80 : i32
    %dma_wait3A_82 = arith.constant 0 : i32
    %dma_wait3A_83 = arith.constant 0 : i32
    %dma_wait3A_84 = arith.constant 0 : i32
    %dma_wait3A_85 = tpu.memref_slice %arg6[%dma_wait3A_82, %dma_wait3A_83, %dma_wait3A_84] : memref<3x40x1024xf32, #tpu.memory_space<vmem>> -> memref<1x40x1024xf32, #tpu.memory_space<vmem>>
    %dma_wait3A_86 = tpu.memref_squeeze %dma_wait3A_85 : memref<1x40x1024xf32, #tpu.memory_space<vmem>> -> memref<40x1024xf32, #tpu.memory_space<vmem>>
    %dma_wait3A_87 = arith.constant 0 : i32
    %dma_wait3A_88 = tpu.memref_slice %arg4[%add3A_81, %dma_wait3A_87] : memref<51200x1024xf32, #tpu.memory_space<hbm>> -> memref<40x1024xf32, #tpu.memory_space<hbm>>
    %dma_wait3A_89 = arith.constant 0 : i32
    %dma_wait3A_90 = tpu.memref_slice %arg4[%add3A_81, %dma_wait3A_89] : memref<51200x1024xf32, #tpu.memory_space<hbm>> -> memref<40x1024xf32, #tpu.memory_space<hbm>>
    %dma_wait3A_91 = arith.constant 0 : i32
    %dma_wait3A_92 = arith.constant 0 : i32
    %dma_wait3A_93 = tpu.memref_slice %arg6[%dma_wait3A_82, %dma_wait3A_91, %dma_wait3A_92] : memref<3x40x1024xf32, #tpu.memory_space<vmem>> -> memref<1x40x1024xf32, #tpu.memory_space<vmem>>
    %dma_wait3A_94 = tpu.memref_squeeze %dma_wait3A_93 : memref<1x40x1024xf32, #tpu.memory_space<vmem>> -> memref<40x1024xf32, #tpu.memory_space<vmem>>
    tpu.wait_dma2 semaphore(%arg10 : memref<!tpu.dma_semaphore, #tpu.memory_space<semaphore_mem>>) src(%dma_wait3A_94 : memref<40x1024xf32, #tpu.memory_space<vmem>>) dst(%dma_wait3A_90 : memref<40x1024xf32, #tpu.memory_space<hbm>>)
    return
  }
}

</mosaic_0001>

<sc_bundles>
// kernel: kernel.3.cloned.1.call-start
scs
__scs_entry_jumppad:
0x0: {  	(pc) =	sbr.rel $0x88, $3  }
0x1: {  	(tag) =	ssettag $0x0;
	lr =	simm.s32 $0x1  }
0x2: {  	[smem:$0x3F9E] =	sst lr;
	_ =	strace $0xD0000000  }
0x3: {  	_ = 	snop  }
0x4: {  	_ = 	snop  }
0x5: {  	_ = 	snop  }
0x6: {  	_ = 	snop  }
0x7: {  	_ = 	snop  }
__scs_overlays_trampoline_lowered:
0x8: {  	[smem:$0x3FAD] =	sst s0  }
0x9: {  	[smem:$0x3FAE] =	sst s1  }
0xa: {  	[smem:$0x3FAF] =	sst s2  }
0xb: {  	[smem:$0x3FB0] =	sst s3  }
0xc: {  	[smem:$0x3FB1] =	sst s4  }
0xd: {  	[smem:$0x3FB2] =	sst s5  }
0xe: {  	[smem:$0x3FB3] =	sst s6  }
0xf: {  	[smem:$0x3FB4] =	sst s7  }
0x10: {  	[smem:$0x3FB5] =	sst s8  }
0x11: {  	[smem:$0x3FB6] =	sst s9;
	s0 =	simm.s32 @!p0 $0x0  }
0x12: {  	s1 =	sld [smem:$0x3F9C];
	s0 =	simm.s32 @p0 $0x1  }
0x13: {  	[smem:$0x3FB7] =	sst s0;
	s0 =	simm.s32 @!p1 $0x0  }
0x14: {  	s2 =	sld [smem:$0x3F9B];
	s0 =	simm.s32 @p1 $0x1  }
0x15: {  	[smem:$0x3FB8] =	sst s0;
	s0 =	simm.s32 @!p2 $0x0  }
0x16: {  	s3 =	sld [smem:$0x3FDB];
	s0 =	simm.s32 @p2 $0x1  }
0x17: {  	s4 =	simm.s32 $0x1BF5;
	[smem:$0x3FBA] =	sst s0  }
0x18: {  	s0 =	sld [smem:$0x3F9D];
	_ =	swait.ge [sflag:s4], $0x0  }
0x19: {  	s7 =	sld [smem:$0x3F9E]  }
0x1a: {  	s8 =	sadd.s32 $0xFFFFE003, lr  }
0x1b: {  	s9 =	sadd.s32 $0xFFFFFEF7, lr;
	s5 =	simm.s32 $0xFFFFFFFF;
	p2 =	slt.u32 s8, $0xFFFFF086  }
0x1c: {  	p1 =	slt.u32 s9, $0xF7A;
	s5 =	simm.s32 @!p2 $0x0  }
0x1d: {  	s5 =	simm.s32 @p1 $0x1;
	p0 =	seq.s32 s7, s2  }
0x1e: {  	s7 =	smul.u32 @!p0 $0xF7A, s2;
	p2 =	seq.s32 @!p0 s5, $0x0  }
0x1f: {  	s9 =	smul.u32 $0xF7A, s1;
	s8 =	simm.s32 @!p0 $0x1BF5;
	p2 =	por !p2, p0  }
0x20: {  	[sflag:s8] =	ssyncset.s32 @!p0 $0xFFFFF086;
	s6 =	sadd.s32 @!p0 s3, s7;
	s7 =	simm.s32 @!p0 $0x108  }
0x21: {  	s3 =	sadd.s32 s3, s9;
	s6 =	sadd.s32 @!p0 $0x88, s6;
	s7 =	simm.s32 @p2 $0x1082  }
0x22: {  	[simem:s7], [sflag:s8] =	dma.local @!p0 [hbm:s6], $0xF7A  }
0x23: {  	s9 =	sor.u32 $0xD0000000, s2;
	s6 =	simm.s32 $0x108;
	_ =	swait.ge @!p0 [sflag:s8], $0x0  }
0x24: {  	s3 =	sadd.s32 $0x88, s3;
	s6 =	simm.s32 @!p1 $0x1082;
	[sflag:s4] =	ssyncset.s32 $0xFFFFF086  }
0x25: {  	[simem:s6], [sflag:s4] =	dma.local [hbm:s3], $0xF7A  }
0x26: {  	[smem:$0x3F9E] =	sst s1;
	(tag) =	ssettag s2;
	_ =	strace s9  }
0x27: {  	s1 =	sld [smem:$0x3FAE]  }
0x28: {  	s2 =	sld [smem:$0x3FAF]  }
0x29: {  	s4 =	sld [smem:$0x3FB1]  }
0x2a: {  	p0 =	seq.s32 s5, $0x0;
	s5 =	sld [smem:$0x3FB2]  }
0x2b: {  	s6 =	sld [smem:$0x3FB3]  }
0x2c: {  	s7 =	sld [smem:$0x3FB4]  }
0x2d: {  	s3 =	simm.s32 $0x108;
	s8 =	sld [smem:$0x3FB5]  }
0x2e: {  	s3 =	simm.s32 @!p0 $0x1082;
	s9 =	sld [smem:$0x3FB6]  }
0x2f: {  	lr =	sadd.s32 s0, s3;
	s0 =	sld [smem:$0x3FAD]  }
0x30: {  	s3 =	sld [smem:$0x3FB0]  }
0x31: {  	[smem:$0x3FB9] =	sst s10  }
0x32: {  	s10 =	sld [smem:$0x3FB7];
	_ =	sdelay $0x3  }
0x33: {  	p0 =	seq.s32 s10, $0x1;
	s10 =	sld [smem:$0x3FB9];
	_ =	sdelay $0x3  }
0x34: {  	[smem:$0x3FB9] =	sst s10  }
0x35: {  	s10 =	sld [smem:$0x3FB8];
	_ =	sdelay $0x3  }
0x36: {  	p1 =	seq.s32 s10, $0x1;
	s10 =	sld [smem:$0x3FB9];
	_ =	sdelay $0x3  }
0x37: {  	[smem:$0x3FB9] =	sst s10  }
0x38: {  	s10 =	sld [smem:$0x3FBA]  }
0x39: {  	_ = 	snop;
	(pc) =	sbr.ind lr, $3  }
0x3a: {  	_ = 	snop  }
0x3b: {  	_ = 	snop  }
0x3c: {  	p2 =	seq.s32 s10, $0x1;
	s10 =	sld [smem:$0x3FB9]  }
0x3d: {  	_ =	shalt  }
0x3e: {  	_ =	shalt  }
0x3f: {  	_ =	shalt  }
0x40: {  	_ =	shalt  }
0x41: {  	_ =	shalt  }
0x42: {  	_ =	shalt  }
0x43: {  	_ =	shalt  }
0x44: {  	_ =	shalt  }
0x45: {  	_ =	shalt  }
0x46: {  	_ =	shalt  }
0x47: {  	_ =	shalt  }
0x48: {  	_ =	shalt  }
0x49: {  	_ =	shalt  }
0x4a: {  	_ =	shalt  }
0x4b: {  	_ =	shalt  }
0x4c: {  	_ =	shalt  }
0x4d: {  	_ =	shalt  }
0x4e: {  	_ =	shalt  }
0x4f: {  	_ =	shalt  }
0x50: {  	_ =	shalt  }
0x51: {  	_ =	shalt  }
0x52: {  	_ =	shalt  }
0x53: {  	_ =	shalt  }
0x54: {  	_ =	shalt  }
0x55: {  	_ =	shalt  }
0x56: {  	_ =	shalt  }
0x57: {  	_ =	shalt  }
0x58: {  	_ =	shalt  }
0x59: {  	_ =	shalt  }
0x5a: {  	_ =	shalt  }
0x5b: {  	_ =	shalt  }
0x5c: {  	_ =	shalt  }
0x5d: {  	_ =	shalt  }
0x5e: {  	_ =	shalt  }
0x5f: {  	_ =	shalt  }
0x60: {  	_ =	shalt  }
0x61: {  	_ =	shalt  }
0x62: {  	_ =	shalt  }
0x63: {  	_ =	shalt  }
0x64: {  	_ =	shalt  }
0x65: {  	_ =	shalt  }
0x66: {  	_ =	shalt  }
0x67: {  	_ =	shalt  }
0x68: {  	_ =	shalt  }
0x69: {  	_ =	shalt  }
0x6a: {  	_ =	shalt  }
0x6b: {  	_ =	shalt  }
0x6c: {  	_ =	shalt  }
0x6d: {  	_ =	shalt  }
0x6e: {  	_ =	shalt  }
0x6f: {  	_ =	shalt  }
0x70: {  	_ =	shalt  }
0x71: {  	_ =	shalt  }
0x72: {  	_ =	shalt  }
0x73: {  	_ =	shalt  }
0x74: {  	_ =	shalt  }
0x75: {  	_ =	shalt  }
0x76: {  	_ =	shalt  }
0x77: {  	_ =	shalt  }
0x78: {  	_ =	shalt  }
0x79: {  	_ =	shalt  }
0x7a: {  	_ =	shalt  }
0x7b: {  	_ =	shalt  }
0x7c: {  	_ =	shalt  }
0x7d: {  	_ =	shalt  }
0x7e: {  	_ =	shalt  }
0x7f: {  	_ =	shalt  }
0x80: {  	_ =	shalt  }
0x81: {  	_ =	shalt  }
0x82: {  	_ =	shalt  }
0x83: {  	_ =	shalt  }
0x84: {  	_ =	shalt  }
0x85: {  	_ =	shalt  }
0x86: {  	_ =	shalt  }
0x87: {  	_ =	shalt  }
.Lfunc_end0:
.L_simem_size_0:
called_computation_lowered:
.L_overlay_start_0:
0x88: {  	s2 =	sld [smem:$0x3FD9]  }
0x89: {  	s3 =	sld [smem:$0x3FFE];
	_ =	sdelay $0x1  }
0x8a: {  	s1 =	srdreg.scid  }
0x8b: {  	s0 =	sand.u32 $0x1, s1  }
0x8c: {  	s15 =	sshll.u32 s0, $0xA;
	s2 =	sadd.s32 s3, s2  }
0x8d: {  	s2 =	sadd.s32 s2, s15  }
0x8e: {  	[smem:$0x3FC5] =	sst s2  }
0x8f: {  	_ = 	snop  }
0x90: {  	s2 =	sld [smem:$0x3FD0];
	_ =	sdelay $0x2  }
0x91: {  	s4 =	simm.s32 $0xA;
	s5 =	simm.s32 $0x10;
	s16 =	sld [smem:$0x3FC7]  }
0x92: {  	[smem:s5], [sflag:s4] =	dma.local [hbm:s2], $0x1  }
0x93: {  	_ =	swait.eq [sflag:s4], $0x1  }
0x94: {  	[sflag:s4] =	ssyncset.done $0x0  }
0x95: {  	s17 =	sld [smem:$0x10];
	[sflag:s4] =	ssyncadd.s32 $0xFFFFFFFF  }
0x96: {  	s18 =	sld [smem:$0x11];
	(tm) =	ssettm $0x1  }
0x97: {  	s19 =	sld [smem:$0x3FFB];
	_ =	sdelay $0x3  }
0x98: {  	_ =	strace s19  }
0x99: {  	s5 =	sld [smem:$0x3FFC];
	_ =	sdelay $0x3  }
0x9a: {  	_ =	strace s5  }
0x9b: {  	s5 =	sld [smem:$0x3FFD];
	_ =	sdelay $0x3  }
0x9c: {  	_ =	strace s5  }
0x9d: {  	_ =	strace $0x8FFFFFFF  }
0x9e: {  	s20 =	sld [smem:$0x3FDB];
	_ =	sdelay $0x1  }
0x9f: {  	s6 =	simm.s32 $_scs_section_size  }
0xa0: {  	s7 =	simm.s32 $_size__tile_overlayer_lowered;
	s8 =	simm.s32 $_tile_overlayer_lowered  }
0xa1: {  	s23 =	simm.s32 $0x1BFF;
	s22 =	sshll.u32 s8, $0x1;
	s5 =	sadd.s32 s6, s20  }
0xa2: {  	s9 =	simm.s32 $0x0;
	s21 =	sshll.u32 s7, $0x1;
	s7 =	sadd.s32 s22, s5  }
0xa3: {  	[timem:s9], [sflag:s23] =	dma.local [hbm:s7], s21  }
0xa4: {  	_ =	swait.ge [sflag:s23], s21  }
0xa5: {  	s6 =	ssub.s32 $0x0, s21;
	[sflag:s23] =	ssyncset.done $0x0  }
0xa6: {  	[sflag:s23] =	ssyncadd.s32 s6;
	_ =	sdelay $0x1  }
0xa7: {  	s24 =	simm.s32 $0x1B8B  }
0xa8: {  	_ =	swait.ge [sflag:s24], $0x1  }
0xa9: {  	[sflag:s24] =	ssyncset.done $0x0  }
0xaa: {  	s25 =	simm.s32 $0x1B8E;
	[sflag:s24] =	ssyncadd.s32 $0xFFFFFFFF  }
0xab: {  	s26 =	simm.s32 $execute0_lowered;
	[smem:$0x3FD2] =	sst s25  }
0xac: {  	s6 =	sshll.u32 s26, $0x1;
	_ =	strace $0x80000046;
	[dreg:$0x1] =	wrdreg $0xFFFFFFFF  }
0xad: {  	s28 =	simm.s32 $_size_execute0_lowered;
	s5 =	sadd.s32 s5, s6;
	[dreg:$0x0] =	wrdreg $0x0  }
0xae: {  	s6 =	sshll.u32 s28, $0x1;
	[dreg:$0x2] =	wrdreg s5  }
0xaf: {  	[dreg:$0x3] =	wrdreg s6  }
0xb0: {  	[dreg:$0x4] =	wrdreg $0xC0  }
0xb1: {  	_ =	task [dreg:s9], $0x5FFFF  }
0xb2: {  	[dreg:$0x1] =	wrdreg $0xFFFFFFFF  }
0xb3: {  	[dreg:$0x0] =	wrdreg $0x60  }
0xb4: {  	[dreg:$0x2] =	wrdreg s18  }
0xb5: {  	[dreg:$0x3] =	wrdreg s16  }
0xb6: {  	[dreg:$0x4] =	wrdreg s17  }
0xb7: {  	[dreg:$0x5] =	wrdreg $0x9  }
0xb8: {  	_ =	task.clear_ibuf [dreg:s9], $0x6FFFF;
	_ =	strace $0x90000046  }
0xb9: {  	s29 =	simm.s32 $0x9;
	_ =	strace $0x80000048  }
0xba: {  	_ =	swait.ge [sflag:s29], $0x1  }
0xbb: {  	[sflag:s29] =	ssyncadd.s32 $0xFFFFFFFF  }
0xbc: {  	_ =	strace $0x90000048  }
0xbd: {  	_ =	sfence  }
0xbe: {  	s30 =	sld [smem:$0x0];
	_ =	sdelay $0x2  }
0xbf: {  	s31 =	sshll.u32 s1, $0xD;
	s1 =	sshrl.u32 s1, $0x2  }
0xc0: {  	s3 =	sand.u32 $0x4000, s31;
	s1 =	sadd.s32 s1, s30  }
0xc1: {  	s0 =	sor.u32 s3, s0;
	s1 =	sshll.u32 s1, $0x11  }
0xc2: {  	s0 =	sor.u32 s1, s0  }
0xc3: {  	s0 =	sadd.s32 $0x8F2B, s0  }
0xc4: {  	[sflag:s0] =	ssyncadd.remote.s32 $0x1  }
0xc5: {  	_ =	sfence.sel $0xFFFF  }
0xc6: {  	[dreg:$0x0] =	wrdreg $0xFFFFFFFF;
	(pc) =	sbr.abs _section_cstart, $3  }
0xc7: {  	[dreg:$0x1] =	wrdreg $0xFFFFFFFF  }
0xc8: {  	_ =	task.clear_ibuf [dreg:s9], $0x2FFFF;
	_ =	strace $0x9FFFFFFF  }
0xc9: {  	(tm) =	ssettm $0x7FFFFFFF  }
tec
execute0_lowered:
.L_overlay_start_1:
0x0: {  	(tag) =	ssettag $0x1  }
0x1: {  	s0 =	rddreg [dreg:$0x0]  }
0x2: {  	s2 =	rddreg [dreg:$0x1]  }
0x3: {  	s1 =	srdreg.scid;
	s10 =	stileid.u32  }
0x4: {  	s4 =	rddreg [dreg:$0x2];
	s3 =	simm.s32 $0x0;
	s12 =	simm.s32 $0x680  }
0x5: {  	s11 =	simm.s32 $0x14680;
	s16 =	simm.s32 $0x17E80;
	s17 =	simm.s32 $0x18680  }
0x6: {  	s18 =	simm.s32 $0x18E80;
	s19 =	simm.s32 $0x19680;
	s20 =	simm.s32 $0x19E80  }
0x7: {  	s21 =	simm.s32 $0x1A680;
	s22 =	simm.s32 $0x1AE80;
	s28 =	simm.s32 $0x1D680  }
0x8: {  	s29 =	simm.s32 $0x1DE80;
	s30 =	simm.s32 $0x1;
	s31 =	simm.s32 $0x4  }
0x9: {  	s1 =	sand.u32 $0x1, s1;
	s5 =	sshll.u32 s10, $0x1;
	s24 =	smul.u32 $0x64000, s10  }
0xa: {  	s5 =	sor.u32 s1, s5;
	s7 =	ssub.s32 $0x2, s1;
	s1 =	smul.u32 $0x32000, s1  }
0xb: {  	s13 =	simm.s32 $0x0;
	[smem:$0x7FF] =	sst s3;
	s6 =	smul.u32 $0x640, s5  }
0xc: {  	_ =	strace $0x80000047;
	s8 =	sshrl.u32 s7, $0x1;
	s9 =	smul.u32 $0x190000, s5  }
0xd: {  	s5 =	sadd.s32 $0x100, s2;
	s26 =	sadd.s32 s24, s4;
	s24 =	simm.s32 $0x1BE80  }
0xe: {  	s8 =	ssub.s32 s7, s8;
	s7 =	sadd.s32 $0x300, s2;
	s10 =	sadd.s32 s1, s26  }
0xf: {  	s26 =	simm.s32 $0x1CE80;
	s1 =	simm.s32 $0x2;
	s6 =	sshrl.u32 s6, $0x3  }
.Ltmp0:
0x10: {  	s23 =	sshrl.u32 s9, $0x3;
	s25 =	smax.u32 s8, $0x1;
	(pc) =	sbr.rel .LBB2_1-.Ltmp0, $4  }
0x11: {  	s8 =	simm.s32 $0x5;
	s0 =	sadd.s32 s0, s6;
	[dreg:$0x6] =	wrdreg s25  }
0x12: {  	v2 =	vlaneseq.u32;
	s6 =	sadd.s32 $0x200, s2;
	[dreg:$0x4] =	wrdreg s0;
	s0 =	sadd.s32 s4, s23  }
0x13: {  	vm0 =	vmmov $0xffff;
	v1 =	vshrl.u32 v2, $0x3;
	s25 =	simm.s32 $0x1C680;
	s23 =	simm.s32 $0x1B680;
	s0 =	sadd.s32 $0x30C00, s0  }
0x14: {  	v0 =	vand.u32 $0x7, v2;
	v2 =	vor.u32 $0x8, v2;
	v1 =	vmul.u32 $0x8, v1;
	s4 =	simm.s32 $0x3;
	[dreg:$0x5] =	wrdreg s0;
	s0 =	simm.s32 $0xA680  }
.LBB2_5:
0x15: {  	_ =	swait.ge [sflag:s30], $0xA000  }
0x16: {  	[sflag:s30] =	ssyncset.done $0x0  }
0x17: {  	s9 =	rddreg [dreg:$0x5];
	[sflag:s30] =	ssyncadd.s32 $0xFFFF6000  }
0x18: {  	[hbm4b:s9+s3] =	stream.linear.scatter [tilespmem:s12], [sflag:$0x4], $0xA000, $0x38;
	[tilespmem:$0x1E680] =	vst v63  }
0x19: {  	_ =	swait.ge [sflag:s8], $0xA000  }
0x1a: {  	[sflag:s8] =	ssyncset.done $0x0  }
0x1b: {  	s14 =	simm.s32 $0x6;
	[sflag:s8] =	ssyncadd.s32 $0xFFFF6000  }
0x1c: {  	_ =	swait.ge [sflag:s14], $0xA000  }
0x1d: {  	[sflag:s14] =	ssyncset.done $0x0  }
0x1e: {  	[sflag:s14] =	ssyncadd.s32 $0xFFFF6000  }
0x1f: {  	_ =	swait.ge [sflag:s31], $0xA000  }
0x20: {  	s13 =	rddreg [dreg:$0x7]  }
0x21: {  	s15 =	rddreg [dreg:$0x6];
	s13 =	sadd.s32 $0x1, s13  }
0x22: {  	p0 =	sne.s32 s13, s15  }
.Ltmp1:
0x23: {  	_ = 	snop;
	(pc) =	sbr.rel @!p0 .LBB2_6-.Ltmp1, $3  }
0x24: {  	_ =	sdelay $0x1  }
0x25: {  	[sflag:s31] =	ssyncset.done $0x0  }
0x26: {  	[sflag:s31] =	ssyncadd.s32 $0xFFFF6000  }
.LBB2_1:
0x27: {  	[dreg:$0x7] =	wrdreg s13  }
0x28: {  	s9 =	rddreg [dreg:$0x4];
	s13 =	simm.s32 $0x7  }
0x29: {  	[tilespmem:s3], [sflag:$0x7] =	stream.linear.gather [hbm4b:s9+s3], $0x640, $0x38;
	[tilespmem:$0x1E680] =	vst v63  }
0x2a: {  	_ =	swait.ge [sflag:s13], $0x640  }
0x2b: {  	[sflag:s13] =	ssyncset.done $0x0  }
0x2c: {  	[sflag:s13] =	ssyncadd.s32 $0xFFFFF9C0  }
0x2d: {  	v3 =	vld [tilespmem:$0x0];
	_ =	sdelay $0x4  }
0x2e: {  	v4 =	vshll.u32 v3, $0x3  }
0x2f: {  	v3 =	vand.u32 $0x7, v3;
	v4 =	vand.u32 $0xFFFFFFC0, v4  }
0x30: {  	v3 =	vor.u32 v3, v4  }
0x31: {  	v4 =	vperm.xlane v3, v0;
	_ =	sdelay $0x1  }
0x32: {  	v4 =	vadd.s32 v1, v4;
	_ =	sdelay $0x4  }
0x33: {  	[tilespmem:s12], [sflag:$0x1] =	stream.indirect_vreg.gather [hbm4b:s2+s3], $0x80, v4, vm0, $0xb8;
	[tilespmem:$0x1E680] =	vst v63  }
0x34: {  	s14 =	simm.s32 $0xE80;
	v3 =	vperm.xlane v3, v2  }
0x35: {  	[tilespmem:s14], [sflag:$0x1] =	stream.indirect_vreg.gather [hbm4b:s5+s3], $0x80, v4, vm0, $0xb8;
	[tilespmem:$0x1E680] =	vst v63  }
0x36: {  	s15 =	simm.s32 $0x1680;
	v3 =	vadd.s32 v1, v3  }
0x37: {  	[tilespmem:s15], [sflag:$0x1] =	stream.indirect_vreg.gather [hbm4b:s6+s3], $0x80, v4, vm0, $0xb8;
	[tilespmem:$0x1E680] =	vst v63  }
0x38: {  	s13 =	simm.s32 $0x1E80  }
0x39: {  	[tilespmem:s13], [sflag:$0x1] =	stream.indirect_vreg.gather [hbm4b:s7+s3], $0x80, v4, vm0, $0xb8;
	[tilespmem:$0x1E680] =	vst v63  }
0x3a: {  	s14 =	simm.s32 $0x2680  }
0x3b: {  	[tilespmem:s14], [sflag:$0x1] =	stream.indirect_vreg.gather [hbm4b:s2+s3], $0x80, v3, vm0, $0xb8;
	[tilespmem:$0x1E680] =	vst v63  }
0x3c: {  	s15 =	simm.s32 $0x2E80  }
0x3d: {  	[tilespmem:s15], [sflag:$0x1] =	stream.indirect_vreg.gather [hbm4b:s5+s3], $0x80, v3, vm0, $0xb8;
	[tilespmem:$0x1E680] =	vst v63  }
0x3e: {  	s13 =	simm.s32 $0x3680  }
0x3f: {  	[tilespmem:s13], [sflag:$0x1] =	stream.indirect_vreg.gather [hbm4b:s6+s3], $0x80, v3, vm0, $0xb8;
	[tilespmem:$0x1E680] =	vst v63  }
0x40: {  	s14 =	simm.s32 $0x3E80  }
0x41: {  	[tilespmem:s14], [sflag:$0x1] =	stream.indirect_vreg.gather [hbm4b:s7+s3], $0x80, v3, vm0, $0xb8;
	[tilespmem:$0x1E680] =	vst v63  }
0x42: {  	v3 =	vld [tilespmem:$0x10];
	_ =	sdelay $0x4  }
0x43: {  	v59 =	vshll.u32 v3, $0x3  }
0x44: {  	v3 =	vand.u32 $0x7, v3;
	v4 =	vand.u32 $0xFFFFFFC0, v59  }
0x45: {  	v3 =	vor.u32 v3, v4  }
0x46: {  	v4 =	vperm.xlane v3, v0;
	_ =	sdelay $0x1  }
0x47: {  	v4 =	vadd.s32 v1, v4;
	_ =	sdelay $0x3  }
0x48: {  	s15 =	simm.s32 $0x4680  }
0x49: {  	[tilespmem:s15], [sflag:$0x1] =	stream.indirect_vreg.gather [hbm4b:s2+s3], $0x80, v4, vm0, $0xb8;
	[tilespmem:$0x1E680] =	vst v63  }
0x4a: {  	s13 =	simm.s32 $0x4E80;
	v3 =	vperm.xlane v3, v2  }
0x4b: {  	[tilespmem:s13], [sflag:$0x1] =	stream.indirect_vreg.gather [hbm4b:s5+s3], $0x80, v4, vm0, $0xb8;
	[tilespmem:$0x1E680] =	vst v63  }
0x4c: {  	s14 =	simm.s32 $0x5680;
	v3 =	vadd.s32 v1, v3  }
0x4d: {  	[tilespmem:s14], [sflag:$0x1] =	stream.indirect_vreg.gather [hbm4b:s6+s3], $0x80, v4, vm0, $0xb8;
	[tilespmem:$0x1E680] =	vst v63  }
0x4e: {  	s15 =	simm.s32 $0x5E80  }
0x4f: {  	[tilespmem:s15], [sflag:$0x1] =	stream.indirect_vreg.gather [hbm4b:s7+s3], $0x80, v4, vm0, $0xb8;
	[tilespmem:$0x1E680] =	vst v63  }
0x50: {  	s13 =	simm.s32 $0x6680  }
0x51: {  	[tilespmem:s13], [sflag:$0x1] =	stream.indirect_vreg.gather [hbm4b:s2+s3], $0x80, v3, vm0, $0xb8;
	[tilespmem:$0x1E680] =	vst v63  }
0x52: {  	s14 =	simm.s32 $0x6E80  }
0x53: {  	[tilespmem:s14], [sflag:$0x1] =	stream.indirect_vreg.gather [hbm4b:s5+s3], $0x80, v3, vm0, $0xb8;
	[tilespmem:$0x1E680] =	vst v63  }
0x54: {  	s15 =	simm.s32 $0x7680  }
0x55: {  	[tilespmem:s15], [sflag:$0x1] =	stream.indirect_vreg.gather [hbm4b:s6+s3], $0x80, v3, vm0, $0xb8;
	[tilespmem:$0x1E680] =	vst v63  }
0x56: {  	s13 =	simm.s32 $0x7E80  }
0x57: {  	[tilespmem:s13], [sflag:$0x1] =	stream.indirect_vreg.gather [hbm4b:s7+s3], $0x80, v3, vm0, $0xb8;
	[tilespmem:$0x1E680] =	vst v63  }
0x58: {  	v3 =	vld.msk [tilespmem:$0x20], $0xff;
	_ =	sdelay $0x4  }
0x59: {  	v60 =	vshll.u32 v3, $0x3  }
0x5a: {  	v3 =	vand.u32 $0x7, v3;
	v4 =	vand.u32 $0xFFFFFFC0, v60  }
0x5b: {  	v3 =	vor.u32 v3, v4  }
0x5c: {  	v3 =	vperm.xlane v3, v0;
	_ =	sdelay $0x1  }
0x5d: {  	v3 =	vadd.s32 v1, v3;
	_ =	sdelay $0x3  }
0x5e: {  	s14 =	simm.s32 $0x8680  }
0x5f: {  	[tilespmem:s14], [sflag:$0x1] =	stream.indirect_vreg.gather [hbm4b:s2+s3], $0x80, v3, vm0, $0xb8;
	[tilespmem:$0x1E680] =	vst v63  }
0x60: {  	s15 =	simm.s32 $0x8E80  }
0x61: {  	[tilespmem:s15], [sflag:$0x1] =	stream.indirect_vreg.gather [hbm4b:s5+s3], $0x80, v3, vm0, $0xb8;
	[tilespmem:$0x1E680] =	vst v63  }
0x62: {  	s13 =	simm.s32 $0x9680  }
0x63: {  	[tilespmem:s13], [sflag:$0x1] =	stream.indirect_vreg.gather [hbm4b:s6+s3], $0x80, v3, vm0, $0xb8;
	[tilespmem:$0x1E680] =	vst v63  }
0x64: {  	s14 =	simm.s32 $0x9E80  }
0x65: {  	[tilespmem:s14], [sflag:$0x1] =	stream.indirect_vreg.gather [hbm4b:s7+s3], $0x80, v3, vm0, $0xb8;
	[tilespmem:$0x1E680] =	vst v63  }
0x66: {  	v3 =	vld [tilespmem:$0x28];
	_ =	sdelay $0x4  }
0x67: {  	v61 =	vshll.u32 v3, $0x3  }
0x68: {  	v3 =	vand.u32 $0x7, v3;
	v4 =	vand.u32 $0xFFFFFFC0, v61  }
0x69: {  	v3 =	vor.u32 v3, v4  }
0x6a: {  	v4 =	vperm.xlane v3, v0;
	_ =	sdelay $0x1  }
0x6b: {  	v4 =	vadd.s32 v1, v4;
	_ =	sdelay $0x4  }
0x6c: {  	[tilespmem:s0], [sflag:$0x2] =	stream.indirect_vreg.gather [hbm4b:s2+s3], $0x80, v4, vm0, $0xb8;
	[tilespmem:$0x1E680] =	vst v63  }
0x6d: {  	s15 =	simm.s32 $0xAE80;
	v3 =	vperm.xlane v3, v2  }
0x6e: {  	[tilespmem:s15], [sflag:$0x2] =	stream.indirect_vreg.gather [hbm4b:s5+s3], $0x80, v4, vm0, $0xb8;
	[tilespmem:$0x1E680] =	vst v63  }
0x6f: {  	s13 =	simm.s32 $0xB680;
	v3 =	vadd.s32 v1, v3  }
0x70: {  	[tilespmem:s13], [sflag:$0x2] =	stream.indirect_vreg.gather [hbm4b:s6+s3], $0x80, v4, vm0, $0xb8;
	[tilespmem:$0x1E680] =	vst v63  }
0x71: {  	s14 =	simm.s32 $0xBE80  }
0x72: {  	[tilespmem:s14], [sflag:$0x2] =	stream.indirect_vreg.gather [hbm4b:s7+s3], $0x80, v4, vm0, $0xb8;
	[tilespmem:$0x1E680] =	vst v63  }
0x73: {  	s15 =	simm.s32 $0xC680  }
0x74: {  	[tilespmem:s15], [sflag:$0x2] =	stream.indirect_vreg.gather [hbm4b:s2+s3], $0x80, v3, vm0, $0xb8;
	[tilespmem:$0x1E680] =	vst v63  }
0x75: {  	s13 =	simm.s32 $0xCE80  }
0x76: {  	[tilespmem:s13], [sflag:$0x2] =	stream.indirect_vreg.gather [hbm4b:s5+s3], $0x80, v3, vm0, $0xb8;
	[tilespmem:$0x1E680] =	vst v63  }
0x77: {  	s14 =	simm.s32 $0xD680  }
0x78: {  	[tilespmem:s14], [sflag:$0x2] =	stream.indirect_vreg.gather [hbm4b:s6+s3], $0x80, v3, vm0, $0xb8;
	[tilespmem:$0x1E680] =	vst v63  }
0x79: {  	s15 =	simm.s32 $0xDE80  }
0x7a: {  	[tilespmem:s15], [sflag:$0x2] =	stream.indirect_vreg.gather [hbm4b:s7+s3], $0x80, v3, vm0, $0xb8;
	[tilespmem:$0x1E680] =	vst v63  }
0x7b: {  	v3 =	vld [tilespmem:$0x38];
	_ =	sdelay $0x4  }
0x7c: {  	v62 =	vshll.u32 v3, $0x3  }
0x7d: {  	v3 =	vand.u32 $0x7, v3;
	v4 =	vand.u32 $0xFFFFFFC0, v62  }
0x7e: {  	v3 =	vor.u32 v3, v4  }
0x7f: {  	v4 =	vperm.xlane v3, v0;
	_ =	sdelay $0x1  }
0x80: {  	v4 =	vadd.s32 v1, v4;
	_ =	sdelay $0x3  }
0x81: {  	s13 =	simm.s32 $0xE680  }
0x82: {  	[tilespmem:s13], [sflag:$0x2] =	stream.indirect_vreg.gather [hbm4b:s2+s3], $0x80, v4, vm0, $0xb8;
	[tilespmem:$0x1E680] =	vst v63  }
0x83: {  	s14 =	simm.s32 $0xEE80;
	v3 =	vperm.xlane v3, v2  }
0x84: {  	[tilespmem:s14], [sflag:$0x2] =	stream.indirect_vreg.gather [hbm4b:s5+s3], $0x80, v4, vm0, $0xb8;
	[tilespmem:$0x1E680] =	vst v63  }
0x85: {  	s15 =	simm.s32 $0xF680;
	v3 =	vadd.s32 v1, v3  }
0x86: {  	[tilespmem:s15], [sflag:$0x2] =	stream.indirect_vreg.gather [hbm4b:s6+s3], $0x80, v4, vm0, $0xb8;
	[tilespmem:$0x1E680] =	vst v63  }
0x87: {  	s13 =	simm.s32 $0xFE80  }
0x88: {  	[tilespmem:s13], [sflag:$0x2] =	stream.indirect_vreg.gather [hbm4b:s7+s3], $0x80, v4, vm0, $0xb8;
	[tilespmem:$0x1E680] =	vst v63  }
0x89: {  	s14 =	simm.s32 $0x10680  }
0x8a: {  	[tilespmem:s14], [sflag:$0x2] =	stream.indirect_vreg.gather [hbm4b:s2+s3], $0x80, v3, vm0, $0xb8;
	[tilespmem:$0x1E680] =	vst v63  }
0x8b: {  	s15 =	simm.s32 $0x10E80  }
0x8c: {  	[tilespmem:s15], [sflag:$0x2] =	stream.indirect_vreg.gather [hbm4b:s5+s3], $0x80, v3, vm0, $0xb8;
	[tilespmem:$0x1E680] =	vst v63  }
0x8d: {  	s13 =	simm.s32 $0x11680  }
0x8e: {  	[tilespmem:s13], [sflag:$0x2] =	stream.indirect_vreg.gather [hbm4b:s6+s3], $0x80, v3, vm0, $0xb8;
	[tilespmem:$0x1E680] =	vst v63  }
0x8f: {  	s14 =	simm.s32 $0x11E80  }
0x90: {  	[tilespmem:s14], [sflag:$0x2] =	stream.indirect_vreg.gather [hbm4b:s7+s3], $0x80, v3, vm0, $0xb8;
	[tilespmem:$0x1E680] =	vst v63  }
0x91: {  	v3 =	vld.msk [tilespmem:$0x48], $0xff;
	_ =	sdelay $0x4  }
0x92: {  	v63 =	vshll.u32 v3, $0x3  }
0x93: {  	v3 =	vand.u32 $0x7, v3;
	v4 =	vand.u32 $0xFFFFFFC0, v63  }
0x94: {  	v3 =	vor.u32 v3, v4  }
0x95: {  	v3 =	vperm.xlane v3, v0;
	_ =	sdelay $0x1  }
0x96: {  	v3 =	vadd.s32 v1, v3;
	_ =	sdelay $0x3  }
0x97: {  	s15 =	simm.s32 $0x12680  }
0x98: {  	[tilespmem:s15], [sflag:$0x2] =	stream.indirect_vreg.gather [hbm4b:s2+s3], $0x80, v3, vm0, $0xb8;
	[tilespmem:$0x1E680] =	vst v63  }
0x99: {  	s13 =	simm.s32 $0x12E80  }
0x9a: {  	[tilespmem:s13], [sflag:$0x2] =	stream.indirect_vreg.gather [hbm4b:s5+s3], $0x80, v3, vm0, $0xb8;
	[tilespmem:$0x1E680] =	vst v63  }
.Ltmp2:
0x9b: {  	_ = 	snop;
	(pc) =	sbr.rel .LBB2_2-.Ltmp2, $4  }
0x9c: {  	s14 =	simm.s32 $0x13680  }
0x9d: {  	[tilespmem:s14], [sflag:$0x2] =	stream.indirect_vreg.gather [hbm4b:s6+s3], $0x80, v3, vm0, $0xb8;
	[tilespmem:$0x1E680] =	vst v63  }
0x9e: {  	s9 =	simm.s32 $0x60;
	s15 =	simm.s32 $0x13E80;
	s13 =	simm.s32 $0x0  }
0x9f: {  	[tilespmem:s15], [sflag:$0x2] =	stream.indirect_vreg.gather [hbm4b:s7+s3], $0x80, v3, vm0, $0xb8;
	[tilespmem:$0x1E680] =	vst v63  }
.LBB2_4:
0xa0: {  	s13 =	sadd.s32 $0x3C00, s13  }
0xa1: {  	p0 =	sne.s32 s13, $0x30C00  }
.Ltmp3:
0xa2: {  	_ = 	snop;
	(pc) =	sbr.rel @!p0 .LBB2_5-.Ltmp3, $4  }
0xa3: {  	_ =	swait.ge [sflag:s4], $0xA000  }
0xa4: {  	[sflag:s4] =	ssyncset.done $0x0  }
0xa5: {  	s14 =	sadd.s32 $0x2800, s14;
	s9 =	sadd.s32 $0x78, s9;
	[sflag:s4] =	ssyncadd.s32 $0xFFFF6000  }
0xa6: {  	[hbm4b:s14+s3] =	stream.linear.scatter [tilespmem:s11], [sflag:$0x6], $0xA000, $0x38;
	[tilespmem:$0x1E680] =	vst v63  }
.LBB2_2:
0xa7: {  	p0 =	seq.s32 s13, $0x0  }
0xa8: {  	s14 =	simm.s32 @!p0 $0x6  }
0xa9: {  	_ =	swait.ge @!p0 [sflag:s14], $0xA000  }
0xaa: {  	[sflag:s14] =	ssyncset.done @!p0 $0x0  }
0xab: {  	[sflag:s14] =	ssyncadd.s32 @!p0 $0xFFFF6000  }
0xac: {  	v3 =	vld [tilespmem:s9+$0xFFFFFFF0];
	_ =	sdelay $0x4  }
0xad: {  	v4 =	vshll.u32 v3, $0x3  }
0xae: {  	v3 =	vand.u32 $0x7, v3;
	v4 =	vand.u32 $0xFFFFFFC0, v4  }
0xaf: {  	v3 =	vor.u32 v3, v4  }
0xb0: {  	v4 =	vperm.xlane v3, v0;
	_ =	sdelay $0x1  }
0xb1: {  	v4 =	vadd.s32 v1, v4;
	_ =	sdelay $0x4  }
0xb2: {  	[tilespmem:s11], [sflag:$0x3] =	stream.indirect_vreg.gather [hbm4b:s2+s3], $0x80, v4, vm0, $0xb8;
	[tilespmem:$0x1E680] =	vst v63  }
0xb3: {  	s15 =	simm.s32 $0x14E80;
	v3 =	vperm.xlane v3, v2  }
0xb4: {  	[tilespmem:s15], [sflag:$0x3] =	stream.indirect_vreg.gather [hbm4b:s5+s3], $0x80, v4, vm0, $0xb8;
	[tilespmem:$0x1E680] =	vst v63  }
0xb5: {  	v3 =	vadd.s32 v1, v3;
	s15 =	simm.s32 $0x15680  }
0xb6: {  	[tilespmem:s15], [sflag:$0x3] =	stream.indirect_vreg.gather [hbm4b:s6+s3], $0x80, v4, vm0, $0xb8;
	[tilespmem:$0x1E680] =	vst v63  }
0xb7: {  	s15 =	simm.s32 $0x15E80  }
0xb8: {  	[tilespmem:s15], [sflag:$0x3] =	stream.indirect_vreg.gather [hbm4b:s7+s3], $0x80, v4, vm0, $0xb8;
	[tilespmem:$0x1E680] =	vst v63  }
0xb9: {  	s15 =	simm.s32 $0x16680  }
0xba: {  	[tilespmem:s15], [sflag:$0x3] =	stream.indirect_vreg.gather [hbm4b:s2+s3], $0x80, v3, vm0, $0xb8;
	[tilespmem:$0x1E680] =	vst v63  }
0xbb: {  	s15 =	simm.s32 $0x16E80  }
0xbc: {  	[tilespmem:s15], [sflag:$0x3] =	stream.indirect_vreg.gather [hbm4b:s5+s3], $0x80, v3, vm0, $0xb8;
	[tilespmem:$0x1E680] =	vst v63  }
0xbd: {  	s15 =	simm.s32 $0x17680  }
0xbe: {  	[tilespmem:s15], [sflag:$0x3] =	stream.indirect_vreg.gather [hbm4b:s6+s3], $0x80, v3, vm0, $0xb8;
	[tilespmem:$0x1E680] =	vst v63  }
0xbf: {  	_ = 	snop  }
0xc0: {  	[tilespmem:s16], [sflag:$0x3] =	stream.indirect_vreg.gather [hbm4b:s7+s3], $0x80, v3, vm0, $0xb8;
	[tilespmem:$0x1E680] =	vst v63  }
0xc1: {  	v3 =	vld [tilespmem:s9+$0x0];
	_ =	sdelay $0x4  }
0xc2: {  	v59 =	vshll.u32 v3, $0x3  }
0xc3: {  	v3 =	vand.u32 $0x7, v3;
	v4 =	vand.u32 $0xFFFFFFC0, v59  }
0xc4: {  	v3 =	vor.u32 v3, v4  }
0xc5: {  	v4 =	vperm.xlane v3, v0;
	_ =	sdelay $0x1  }
0xc6: {  	v4 =	vadd.s32 v1, v4;
	_ =	sdelay $0x4  }
0xc7: {  	[tilespmem:s17], [sflag:$0x3] =	stream.indirect_vreg.gather [hbm4b:s2+s3], $0x80, v4, vm0, $0xb8;
	[tilespmem:$0x1E680] =	vst v63  }
0xc8: {  	v3 =	vperm.xlane v3, v2  }
0xc9: {  	[tilespmem:s18], [sflag:$0x3] =	stream.indirect_vreg.gather [hbm4b:s5+s3], $0x80, v4, vm0, $0xb8;
	[tilespmem:$0x1E680] =	vst v63  }
0xca: {  	v3 =	vadd.s32 v1, v3  }
0xcb: {  	[tilespmem:s19], [sflag:$0x3] =	stream.indirect_vreg.gather [hbm4b:s6+s3], $0x80, v4, vm0, $0xb8;
	[tilespmem:$0x1E680] =	vst v63  }
0xcc: {  	_ = 	snop  }
0xcd: {  	[tilespmem:s20], [sflag:$0x3] =	stream.indirect_vreg.gather [hbm4b:s7+s3], $0x80, v4, vm0, $0xb8;
	[tilespmem:$0x1E680] =	vst v63  }
0xce: {  	_ = 	snop  }
0xcf: {  	[tilespmem:s21], [sflag:$0x3] =	stream.indirect_vreg.gather [hbm4b:s2+s3], $0x80, v3, vm0, $0xb8;
	[tilespmem:$0x1E680] =	vst v63  }
0xd0: {  	_ = 	snop  }
0xd1: {  	[tilespmem:s22], [sflag:$0x3] =	stream.indirect_vreg.gather [hbm4b:s5+s3], $0x80, v3, vm0, $0xb8;
	[tilespmem:$0x1E680] =	vst v63  }
0xd2: {  	_ = 	snop  }
0xd3: {  	[tilespmem:s23], [sflag:$0x3] =	stream.indirect_vreg.gather [hbm4b:s6+s3], $0x80, v3, vm0, $0xb8;
	[tilespmem:$0x1E680] =	vst v63  }
0xd4: {  	_ = 	snop  }
0xd5: {  	[tilespmem:s24], [sflag:$0x3] =	stream.indirect_vreg.gather [hbm4b:s7+s3], $0x80, v3, vm0, $0xb8;
	[tilespmem:$0x1E680] =	vst v63  }
0xd6: {  	v3 =	vld.msk [tilespmem:s9+$0x10], $0xff;
	_ =	sdelay $0x4  }
0xd7: {  	v60 =	vshll.u32 v3, $0x3  }
0xd8: {  	v3 =	vand.u32 $0x7, v3;
	v4 =	vand.u32 $0xFFFFFFC0, v60  }
0xd9: {  	v3 =	vor.u32 v3, v4  }
0xda: {  	v3 =	vperm.xlane v3, v0;
	_ =	sdelay $0x1  }
0xdb: {  	v3 =	vadd.s32 v1, v3;
	_ =	sdelay $0x4  }
0xdc: {  	[tilespmem:s25], [sflag:$0x3] =	stream.indirect_vreg.gather [hbm4b:s2+s3], $0x80, v3, vm0, $0xb8;
	[tilespmem:$0x1E680] =	vst v63  }
0xdd: {  	_ = 	snop  }
0xde: {  	[tilespmem:s26], [sflag:$0x3] =	stream.indirect_vreg.gather [hbm4b:s5+s3], $0x80, v3, vm0, $0xb8;
	[tilespmem:$0x1E680] =	vst v63  }
0xdf: {  	_ = 	snop  }
0xe0: {  	[tilespmem:s28], [sflag:$0x3] =	stream.indirect_vreg.gather [hbm4b:s6+s3], $0x80, v3, vm0, $0xb8;
	[tilespmem:$0x1E680] =	vst v63  }
0xe1: {  	_ = 	snop  }
0xe2: {  	[tilespmem:s29], [sflag:$0x3] =	stream.indirect_vreg.gather [hbm4b:s7+s3], $0x80, v3, vm0, $0xb8;
	[tilespmem:$0x1E680] =	vst v63  }
0xe3: {  	_ =	swait.ge [sflag:s30], $0xA000  }
0xe4: {  	[sflag:s30] =	ssyncset.done $0x0  }
0xe5: {  	s14 =	sadd.s32 s13, s10;
	[sflag:s30] =	ssyncadd.s32 $0xFFFF6000  }
0xe6: {  	[hbm4b:s14+s3] =	stream.linear.scatter [tilespmem:s12], [sflag:$0x4], $0xA000, $0x38;
	[tilespmem:$0x1E680] =	vst v63  }
0xe7: {  	_ =	swait.ge [sflag:s31], $0xA000  }
0xe8: {  	[sflag:s31] =	ssyncset.done $0x0  }
0xe9: {  	[sflag:s31] =	ssyncadd.s32 $0xFFFF6000  }
0xea: {  	v3 =	vld [tilespmem:s9+$0x18];
	_ =	sdelay $0x4  }
0xeb: {  	v61 =	vshll.u32 v3, $0x3  }
0xec: {  	v3 =	vand.u32 $0x7, v3;
	v4 =	vand.u32 $0xFFFFFFC0, v61  }
0xed: {  	v3 =	vor.u32 v3, v4  }
0xee: {  	v4 =	vperm.xlane v3, v0;
	_ =	sdelay $0x1  }
0xef: {  	v4 =	vadd.s32 v1, v4;
	_ =	sdelay $0x4  }
0xf0: {  	[tilespmem:s12], [sflag:$0x1] =	stream.indirect_vreg.gather [hbm4b:s2+s3], $0x80, v4, vm0, $0xb8;
	[tilespmem:$0x1E680] =	vst v63  }
0xf1: {  	s15 =	simm.s32 $0xE80;
	v3 =	vperm.xlane v3, v2  }
0xf2: {  	[tilespmem:s15], [sflag:$0x1] =	stream.indirect_vreg.gather [hbm4b:s5+s3], $0x80, v4, vm0, $0xb8;
	[tilespmem:$0x1E680] =	vst v63  }
0xf3: {  	v3 =	vadd.s32 v1, v3;
	s15 =	simm.s32 $0x1680  }
0xf4: {  	[tilespmem:s15], [sflag:$0x1] =	stream.indirect_vreg.gather [hbm4b:s6+s3], $0x80, v4, vm0, $0xb8;
	[tilespmem:$0x1E680] =	vst v63  }
0xf5: {  	s15 =	simm.s32 $0x1E80  }
0xf6: {  	[tilespmem:s15], [sflag:$0x1] =	stream.indirect_vreg.gather [hbm4b:s7+s3], $0x80, v4, vm0, $0xb8;
	[tilespmem:$0x1E680] =	vst v63  }
0xf7: {  	s15 =	simm.s32 $0x2680  }
0xf8: {  	[tilespmem:s15], [sflag:$0x1] =	stream.indirect_vreg.gather [hbm4b:s2+s3], $0x80, v3, vm0, $0xb8;
	[tilespmem:$0x1E680] =	vst v63  }
0xf9: {  	s15 =	simm.s32 $0x2E80  }
0xfa: {  	[tilespmem:s15], [sflag:$0x1] =	stream.indirect_vreg.gather [hbm4b:s5+s3], $0x80, v3, vm0, $0xb8;
	[tilespmem:$0x1E680] =	vst v63  }
0xfb: {  	s15 =	simm.s32 $0x3680  }
0xfc: {  	[tilespmem:s15], [sflag:$0x1] =	stream.indirect_vreg.gather [hbm4b:s6+s3], $0x80, v3, vm0, $0xb8;
	[tilespmem:$0x1E680] =	vst v63  }
0xfd: {  	s15 =	simm.s32 $0x3E80  }
0xfe: {  	[tilespmem:s15], [sflag:$0x1] =	stream.indirect_vreg.gather [hbm4b:s7+s3], $0x80, v3, vm0, $0xb8;
	[tilespmem:$0x1E680] =	vst v63  }
0xff: {  	v3 =	vld [tilespmem:s9+$0x28];
	_ =	sdelay $0x4  }
0x100: {  	v62 =	vshll.u32 v3, $0x3  }
0x101: {  	v3 =	vand.u32 $0x7, v3;
	v4 =	vand.u32 $0xFFFFFFC0, v62  }
0x102: {  	v3 =	vor.u32 v3, v4  }
0x103: {  	v4 =	vperm.xlane v3, v0;
	_ =	sdelay $0x1  }
0x104: {  	v4 =	vadd.s32 v1, v4;
	_ =	sdelay $0x3  }
0x105: {  	s15 =	simm.s32 $0x4680  }
0x106: {  	[tilespmem:s15], [sflag:$0x1] =	stream.indirect_vreg.gather [hbm4b:s2+s3], $0x80, v4, vm0, $0xb8;
	[tilespmem:$0x1E680] =	vst v63  }
0x107: {  	v3 =	vperm.xlane v3, v2;
	s15 =	simm.s32 $0x4E80  }
0x108: {  	[tilespmem:s15], [sflag:$0x1] =	stream.indirect_vreg.gather [hbm4b:s5+s3], $0x80, v4, vm0, $0xb8;
	[tilespmem:$0x1E680] =	vst v63  }
0x109: {  	v3 =	vadd.s32 v1, v3;
	s15 =	simm.s32 $0x5680  }
0x10a: {  	[tilespmem:s15], [sflag:$0x1] =	stream.indirect_vreg.gather [hbm4b:s6+s3], $0x80, v4, vm0, $0xb8;
	[tilespmem:$0x1E680] =	vst v63  }
0x10b: {  	s15 =	simm.s32 $0x5E80  }
0x10c: {  	[tilespmem:s15], [sflag:$0x1] =	stream.indirect_vreg.gather [hbm4b:s7+s3], $0x80, v4, vm0, $0xb8;
	[tilespmem:$0x1E680] =	vst v63  }
0x10d: {  	s15 =	simm.s32 $0x6680  }
0x10e: {  	[tilespmem:s15], [sflag:$0x1] =	stream.indirect_vreg.gather [hbm4b:s2+s3], $0x80, v3, vm0, $0xb8;
	[tilespmem:$0x1E680] =	vst v63  }
0x10f: {  	s15 =	simm.s32 $0x6E80  }
0x110: {  	[tilespmem:s15], [sflag:$0x1] =	stream.indirect_vreg.gather [hbm4b:s5+s3], $0x80, v3, vm0, $0xb8;
	[tilespmem:$0x1E680] =	vst v63  }
0x111: {  	s15 =	simm.s32 $0x7680  }
0x112: {  	[tilespmem:s15], [sflag:$0x1] =	stream.indirect_vreg.gather [hbm4b:s6+s3], $0x80, v3, vm0, $0xb8;
	[tilespmem:$0x1E680] =	vst v63  }
0x113: {  	s15 =	simm.s32 $0x7E80  }
0x114: {  	[tilespmem:s15], [sflag:$0x1] =	stream.indirect_vreg.gather [hbm4b:s7+s3], $0x80, v3, vm0, $0xb8;
	[tilespmem:$0x1E680] =	vst v63  }
0x115: {  	v3 =	vld.msk [tilespmem:s9+$0x38], $0xff;
	_ =	sdelay $0x4  }
0x116: {  	v63 =	vshll.u32 v3, $0x3  }
0x117: {  	v3 =	vand.u32 $0x7, v3;
	v4 =	vand.u32 $0xFFFFFFC0, v63  }
0x118: {  	v3 =	vor.u32 v3, v4  }
0x119: {  	v3 =	vperm.xlane v3, v0;
	_ =	sdelay $0x1  }
0x11a: {  	v3 =	vadd.s32 v1, v3;
	_ =	sdelay $0x3  }
0x11b: {  	s15 =	simm.s32 $0x8680  }
0x11c: {  	[tilespmem:s15], [sflag:$0x1] =	stream.indirect_vreg.gather [hbm4b:s2+s3], $0x80, v3, vm0, $0xb8;
	[tilespmem:$0x1E680] =	vst v63  }
0x11d: {  	s15 =	simm.s32 $0x8E80  }
0x11e: {  	[tilespmem:s15], [sflag:$0x1] =	stream.indirect_vreg.gather [hbm4b:s5+s3], $0x80, v3, vm0, $0xb8;
	[tilespmem:$0x1E680] =	vst v63  }
0x11f: {  	s15 =	simm.s32 $0x9680  }
0x120: {  	[tilespmem:s15], [sflag:$0x1] =	stream.indirect_vreg.gather [hbm4b:s6+s3], $0x80, v3, vm0, $0xb8;
	[tilespmem:$0x1E680] =	vst v63  }
0x121: {  	p0 =	seq.s32 s13, $0x2D000;
	s15 =	simm.s32 $0x9E80  }
0x122: {  	[tilespmem:s15], [sflag:$0x1] =	stream.indirect_vreg.gather [hbm4b:s7+s3], $0x80, v3, vm0, $0xb8;
	[tilespmem:$0x1E680] =	vst v63  }
.Ltmp4:
0x123: {  	_ = 	snop;
	(pc) =	sbr.rel @p0 .LBB2_4-.Ltmp4, $4  }
0x124: {  	_ =	swait.ge [sflag:s1], $0xA000  }
0x125: {  	[sflag:s1] =	ssyncset.done $0x0  }
0x126: {  	s15 =	sadd.s32 $0x1400, s14;
	[sflag:s1] =	ssyncadd.s32 $0xFFFF6000  }
0x127: {  	[hbm4b:s15+s3] =	stream.linear.scatter [tilespmem:s0], [sflag:$0x5], $0xA000, $0x38;
	[tilespmem:$0x1E680] =	vst v63  }
0x128: {  	_ =	swait.ge [sflag:s8], $0xA000  }
0x129: {  	[sflag:s8] =	ssyncset.done $0x0  }
0x12a: {  	[sflag:s8] =	ssyncadd.s32 $0xFFFF6000  }
0x12b: {  	v3 =	vld [tilespmem:s9+$0x40];
	_ =	sdelay $0x4  }
0x12c: {  	v4 =	vshll.u32 v3, $0x3  }
0x12d: {  	v3 =	vand.u32 $0x7, v3;
	v4 =	vand.u32 $0xFFFFFFC0, v4  }
0x12e: {  	v3 =	vor.u32 v3, v4  }
0x12f: {  	v4 =	vperm.xlane v3, v0;
	_ =	sdelay $0x1  }
0x130: {  	v4 =	vadd.s32 v1, v4;
	_ =	sdelay $0x4  }
0x131: {  	[tilespmem:s0], [sflag:$0x2] =	stream.indirect_vreg.gather [hbm4b:s2+s3], $0x80, v4, vm0, $0xb8;
	[tilespmem:$0x1E680] =	vst v63  }
0x132: {  	s15 =	simm.s32 $0xAE80;
	v3 =	vperm.xlane v3, v2  }
0x133: {  	[tilespmem:s15], [sflag:$0x2] =	stream.indirect_vreg.gather [hbm4b:s5+s3], $0x80, v4, vm0, $0xb8;
	[tilespmem:$0x1E680] =	vst v63  }
0x134: {  	v3 =	vadd.s32 v1, v3;
	s15 =	simm.s32 $0xB680  }
0x135: {  	[tilespmem:s15], [sflag:$0x2] =	stream.indirect_vreg.gather [hbm4b:s6+s3], $0x80, v4, vm0, $0xb8;
	[tilespmem:$0x1E680] =	vst v63  }
0x136: {  	s15 =	simm.s32 $0xBE80  }
0x137: {  	[tilespmem:s15], [sflag:$0x2] =	stream.indirect_vreg.gather [hbm4b:s7+s3], $0x80, v4, vm0, $0xb8;
	[tilespmem:$0x1E680] =	vst v63  }
0x138: {  	s15 =	simm.s32 $0xC680  }
0x139: {  	[tilespmem:s15], [sflag:$0x2] =	stream.indirect_vreg.gather [hbm4b:s2+s3], $0x80, v3, vm0, $0xb8;
	[tilespmem:$0x1E680] =	vst v63  }
0x13a: {  	s15 =	simm.s32 $0xCE80  }
0x13b: {  	[tilespmem:s15], [sflag:$0x2] =	stream.indirect_vreg.gather [hbm4b:s5+s3], $0x80, v3, vm0, $0xb8;
	[tilespmem:$0x1E680] =	vst v63  }
0x13c: {  	s15 =	simm.s32 $0xD680  }
0x13d: {  	[tilespmem:s15], [sflag:$0x2] =	stream.indirect_vreg.gather [hbm4b:s6+s3], $0x80, v3, vm0, $0xb8;
	[tilespmem:$0x1E680] =	vst v63  }
0x13e: {  	s15 =	simm.s32 $0xDE80  }
0x13f: {  	[tilespmem:s15], [sflag:$0x2] =	stream.indirect_vreg.gather [hbm4b:s7+s3], $0x80, v3, vm0, $0xb8;
	[tilespmem:$0x1E680] =	vst v63  }
0x140: {  	v3 =	vld [tilespmem:s9+$0x50];
	_ =	sdelay $0x4  }
0x141: {  	v62 =	vshll.u32 v3, $0x3  }
0x142: {  	v3 =	vand.u32 $0x7, v3;
	v4 =	vand.u32 $0xFFFFFFC0, v62  }
0x143: {  	v3 =	vor.u32 v3, v4  }
0x144: {  	v4 =	vperm.xlane v3, v0;
	_ =	sdelay $0x1  }
0x145: {  	v4 =	vadd.s32 v1, v4;
	_ =	sdelay $0x3  }
0x146: {  	s15 =	simm.s32 $0xE680  }
0x147: {  	[tilespmem:s15], [sflag:$0x2] =	stream.indirect_vreg.gather [hbm4b:s2+s3], $0x80, v4, vm0, $0xb8;
	[tilespmem:$0x1E680] =	vst v63  }
0x148: {  	v3 =	vperm.xlane v3, v2;
	s15 =	simm.s32 $0xEE80  }
0x149: {  	[tilespmem:s15], [sflag:$0x2] =	stream.indirect_vreg.gather [hbm4b:s5+s3], $0x80, v4, vm0, $0xb8;
	[tilespmem:$0x1E680] =	vst v63  }
0x14a: {  	v3 =	vadd.s32 v1, v3;
	s15 =	simm.s32 $0xF680  }
0x14b: {  	[tilespmem:s15], [sflag:$0x2] =	stream.indirect_vreg.gather [hbm4b:s6+s3], $0x80, v4, vm0, $0xb8;
	[tilespmem:$0x1E680] =	vst v63  }
0x14c: {  	s15 =	simm.s32 $0xFE80  }
0x14d: {  	[tilespmem:s15], [sflag:$0x2] =	stream.indirect_vreg.gather [hbm4b:s7+s3], $0x80, v4, vm0, $0xb8;
	[tilespmem:$0x1E680] =	vst v63  }
0x14e: {  	s15 =	simm.s32 $0x10680  }
0x14f: {  	[tilespmem:s15], [sflag:$0x2] =	stream.indirect_vreg.gather [hbm4b:s2+s3], $0x80, v3, vm0, $0xb8;
	[tilespmem:$0x1E680] =	vst v63  }
0x150: {  	s15 =	simm.s32 $0x10E80  }
0x151: {  	[tilespmem:s15], [sflag:$0x2] =	stream.indirect_vreg.gather [hbm4b:s5+s3], $0x80, v3, vm0, $0xb8;
	[tilespmem:$0x1E680] =	vst v63  }
0x152: {  	s15 =	simm.s32 $0x11680  }
0x153: {  	[tilespmem:s15], [sflag:$0x2] =	stream.indirect_vreg.gather [hbm4b:s6+s3], $0x80, v3, vm0, $0xb8;
	[tilespmem:$0x1E680] =	vst v63  }
0x154: {  	s15 =	simm.s32 $0x11E80  }
0x155: {  	[tilespmem:s15], [sflag:$0x2] =	stream.indirect_vreg.gather [hbm4b:s7+s3], $0x80, v3, vm0, $0xb8;
	[tilespmem:$0x1E680] =	vst v63  }
0x156: {  	v3 =	vld.msk [tilespmem:s9+$0x60], $0xff;
	_ =	sdelay $0x4  }
0x157: {  	v63 =	vshll.u32 v3, $0x3  }
0x158: {  	v3 =	vand.u32 $0x7, v3;
	v4 =	vand.u32 $0xFFFFFFC0, v63  }
0x159: {  	v3 =	vor.u32 v3, v4  }
0x15a: {  	v3 =	vperm.xlane v3, v0;
	_ =	sdelay $0x1  }
0x15b: {  	v3 =	vadd.s32 v1, v3;
	_ =	sdelay $0x3  }
0x15c: {  	s15 =	simm.s32 $0x12680  }
0x15d: {  	[tilespmem:s15], [sflag:$0x2] =	stream.indirect_vreg.gather [hbm4b:s2+s3], $0x80, v3, vm0, $0xb8;
	[tilespmem:$0x1E680] =	vst v63  }
0x15e: {  	s15 =	simm.s32 $0x12E80  }
0x15f: {  	[tilespmem:s15], [sflag:$0x2] =	stream.indirect_vreg.gather [hbm4b:s5+s3], $0x80, v3, vm0, $0xb8;
	[tilespmem:$0x1E680] =	vst v63  }
.Ltmp5:
0x160: {  	_ = 	snop;
	(pc) =	sbr.rel .LBB2_4-.Ltmp5, $4  }
0x161: {  	s15 =	simm.s32 $0x13680  }
0x162: {  	[tilespmem:s15], [sflag:$0x2] =	stream.indirect_vreg.gather [hbm4b:s6+s3], $0x80, v3, vm0, $0xb8;
	[tilespmem:$0x1E680] =	vst v63  }
0x163: {  	s15 =	simm.s32 $0x13E80  }
0x164: {  	[tilespmem:s15], [sflag:$0x2] =	stream.indirect_vreg.gather [hbm4b:s7+s3], $0x80, v3, vm0, $0xb8;
	[tilespmem:$0x1E680] =	vst v63  }
.LBB2_6:
0x165: {  	_ =	sfence.sel $0x180000  }
0x166: {  	[bflag:$0x0] =	sbarrier.arrive $0xFFFF  }
0x167: {  	_ =	strace $0x90000047  }
0x168: {  	s0 =	stileid.u32;
	[bflag:$0x2] =	sbarrier.arrive $0xFFFF  }
0x169: {  	p0 =	sne.s32 s0, $0x0;
	s0 =	rddreg [dreg:$0x3]  }
0x16a: {  	s0 =	sadd.s32 @!p0 $0x100000, s0  }
0x16b: {  	[sflag:s0] =	ssyncadd.tile.s32 @!p0 $0x1;
	_ =	shalt  }
.Lfunc_end2:
_tile_overlayer_lowered:
.L_overlay_start_2:
0x16c: {  	(tag) =	ssettag $0x2  }
0x16d: {  	s0 =	rddreg [dreg:$0x0];
	s2 =	stileid.u32  }
0x16e: {  	s1 =	rddreg [dreg:$0x1];
	p0 =	sne.s32 s2, $0x0  }
0x16f: {  	s3 =	rddreg [dreg:$0x2];
	[bflag:$0x3] =	sbarrier.arrive $0xFFFF;
	s2 =	simm.s32 @!p0 $0x1C07  }
0x170: {  	[timem:s3], [sflag:s2] =	dma.local @!p0 [hbm:s0], s1  }
0x171: {  	s0 =	simm.s32 @!p0 $0x7  }
0x172: {  	_ =	swait.ge @!p0 [sflag:s0], s1  }
0x173: {  	s1 =	ssub.s32 @!p0 $0x0, s1;
	[sflag:s0] =	ssyncset.done @!p0 $0x0  }
0x174: {  	[sflag:s0] =	ssyncadd.s32 @!p0 s1  }
0x175: {  	[bflag:$0x3] =	sbarrier.arrive $0xFFFF  }
0x176: {  	_ =	shalt  }

</sc_bundles>
